<compile_context>
chip_gen: v7x
topology: tpu7x:2x2x1
jax: 0.10.2.dev20260603
libtpu: 0.0.44.dev20260713+nightly
codegen_flags: <defaults>
</compile_context>

<pallas_src>
import jax
import jax.numpy as jnp
from jax import lax
from jax.experimental import pallas as pl
from jax.experimental.pallas import tpu as pltpu
from jax.experimental.pallas import tpu_sc as plsc

N = 10000
E = 320000
F = 128
NC = 10

BN = 1000
NBLK = N // BN

NSUB = 16
EDGES_PER_SUB = E // NSUB
CHUNK = 80
NCHUNK = EDGES_PER_SUB // CHUNK
INIT_ROWS = 640
WB = CHUNK
NBUF = 4
G = 10
NGROUPS = NCHUNK // G
SD = 2 * G


def _lrelu(v):
    return jnp.where(v >= 0, v, 0.2 * v)



def _layer1_body(x_ref, me_ref, wt_ref, scale_ref, bias_ref, y_ref, base_ref):
    xb = x_ref[0]
    xb = jnp.where(xb == 0.0, me_ref[0], xb)
    y = jnp.dot(xb, wt_ref[0], preferred_element_type=jnp.float32)
    y_ref[0] = y
    base_ref[0] = y * scale_ref[0] + bias_ref[0]


def _layer2_body(a_ref, wt_ref, scale_ref, bias_ref, y_ref, base_ref):
    h = _lrelu(a_ref[0])
    y = jnp.dot(h, wt_ref[0], preferred_element_type=jnp.float32)
    y_ref[0] = y
    base_ref[0] = y * scale_ref[0] + bias_ref[0]


def _branch_specs():
    row = pl.BlockSpec((1, BN, F), lambda b, i: (b, i, 0))
    per_branch = pl.BlockSpec((1, 1, F), lambda b, i: (b, 0, 0))
    w = pl.BlockSpec((1, F, F), lambda b, i: (b, 0, 0))
    return row, per_branch, w


def _layer1_call(X, ME, WT, SCALE, BIAS):
    row, per_branch, w = _branch_specs()
    return pl.pallas_call(
        _layer1_body,
        grid=(2, NBLK),
        in_specs=[row, per_branch, w, per_branch, per_branch],
        out_specs=[row, row],
        out_shape=[jax.ShapeDtypeStruct((2, N, F), jnp.float32)] * 2,
    )(X, ME, WT, SCALE, BIAS)


def _layer2_call(A, WT, SCALE, BIAS):
    row, per_branch, w = _branch_specs()
    return pl.pallas_call(
        _layer2_body,
        grid=(2, NBLK),
        in_specs=[row, w, per_branch, per_branch],
        out_specs=[row, row],
        out_shape=[jax.ShapeDtypeStruct((2, N, F), jnp.float32)] * 2,
    )(A, WT, SCALE, BIAS)


def _head_body(a_ref, mask_ref, wmt_ref, bm_ref, w1t_ref, b1_ref, w2t_ref,
               b2_ref, xm_ref, lg_ref):
    he = _lrelu(a_ref[0])
    hc = _lrelu(a_ref[1])
    wm = wmt_ref[...]
    xm = (jnp.dot(he, wm[:F], preferred_element_type=jnp.float32)
          + jnp.dot(hc, wm[F:], preferred_element_type=jnp.float32)
          + bm_ref[...])
    xm = _lrelu(xm)
    xm_ref[...] = xm
    central = xm * mask_ref[...][:, :1]
    h = jnp.maximum(
        jnp.dot(central, w1t_ref[...], preferred_element_type=jnp.float32)
        + b1_ref[...], 0.0)
    lg_ref[...] = (jnp.dot(h, w2t_ref[...], preferred_element_type=jnp.float32)
                   + b2_ref[...])


def _head_call(A2, MASK, WMT, BM, W1T, B1, W2T, B2):
    whole = lambda shape: pl.BlockSpec(shape, lambda i: tuple(0 for _ in shape))
    return pl.pallas_call(
        _head_body,
        grid=(NBLK,),
        in_specs=[
            pl.BlockSpec((2, BN, F), lambda i: (0, i, 0)),
            pl.BlockSpec((BN, 8), lambda i: (i, 0)),
            whole((2 * F, NC)),
            whole((1, NC)),
            whole((NC, F)),
            whole((1, F)),
            whole((F, NC)),
            whole((1, NC)),
        ],
        out_specs=[
            pl.BlockSpec((BN, NC), lambda i: (i, 0)),
            pl.BlockSpec((BN, NC), lambda i: (i, 0)),
        ],
        out_shape=[jax.ShapeDtypeStruct((N, NC), jnp.float32)] * 2,
    )(A2, MASK, WMT, BM, W1T, B1, W2T, B2)



def _sc_body(y_hbm, base_hbm, sd_hbm, out_hbm,
             idx2, rows_v, acc_sh, gsem, isem):
    cid = lax.axis_index("c")
    sid = lax.axis_index("s")

    rows0 = pl.multiple_of(jnp.minimum(sid * INIT_ROWS, N - INIT_ROWS), 8)
    pltpu.sync_copy(base_hbm.at[pl.ds(cid * N + rows0, INIT_ROWS)],
                    acc_sh.at[pl.ds(rows0, INIT_ROWS)])

    pltpu.sync_copy(sd_hbm.at[cid, sid, 0], idx2.at[0])
    plsc.subcore_barrier()

    for b in range(NBUF):
        pltpu.async_copy(y_hbm.at[idx2.at[0, 2 * b]],
                         rows_v.at[pl.ds(b * CHUNK, CHUNK)], gsem.at[b])

    def body(i, carry):
        p = lax.rem(i, NBUF)
        g = lax.div(i, G)
        j = lax.rem(i, G)
        gp = lax.rem(g, 2)

        @pl.when(jnp.logical_and(j == 0, g + 1 < NGROUPS))
        def _():
            pltpu.async_copy(sd_hbm.at[cid, sid, g + 1],
                             idx2.at[1 - gp], isem.at[1 - gp])

        rb = rows_v.at[pl.ds(pl.multiple_of(p * CHUNK, 8), CHUNK)]
        pltpu.make_async_copy(y_hbm.at[idx2.at[0, 0]], rb,
                              gsem.at[p]).wait()
        pltpu.sync_copy(rb, acc_sh.at[idx2.at[gp, 2 * j + 1]], add=True)

        @pl.when(jnp.logical_and(j == G - NBUF, g + 1 < NGROUPS))
        def _():
            pltpu.make_async_copy(sd_hbm.at[cid, sid, 0], idx2.at[1 - gp],
                                  isem.at[1 - gp]).wait()

        nxt = i + NBUF

        @pl.when(nxt < NCHUNK)
        def _():
            gn = lax.rem(lax.div(nxt, G), 2)
            jn = lax.rem(nxt, G)
            pltpu.async_copy(y_hbm.at[idx2.at[gn, 2 * jn]], rb, gsem.at[p])
        return carry

    lax.fori_loop(0, NCHUNK, body, 0)
    plsc.subcore_barrier()

    for j in range(INIT_ROWS // (NBUF * WB)):
        r = pl.multiple_of(rows0 + j * NBUF * WB, 8)
        pltpu.sync_copy(acc_sh.at[pl.ds(r, NBUF * WB)], rows_v)
        pltpu.sync_copy(rows_v, out_hbm.at[pl.ds(cid * N + r, NBUF * WB)])


def _segsum_call(y_flat, base_flat, sd_r):
    mesh = plsc.VectorSubcoreMesh(core_axis_name="c", subcore_axis_name="s")
    k = pl.kernel(
        _sc_body,
        out_type=jax.ShapeDtypeStruct((2 * N, F), jnp.float32),
        mesh=mesh,
        scratch_types=[
            pltpu.VMEM((2, SD, CHUNK), jnp.int32),
            pltpu.VMEM((NBUF * WB, F), jnp.float32),
            pltpu.VMEM_SHARED((N, F), jnp.float32),
            pltpu.SemaphoreType.DMA((NBUF,)),
            pltpu.SemaphoreType.DMA((2,)),
        ],
    )
    return k(y_flat, base_flat, sd_r)



def kernel(x, c, edge_index, central_node_index, me_x, me_c,
           eps1e, W1e, b1e, eps2e, W2e, b2e,
           eps1c, W1c, b1c, eps2c, W2c, b2c,
           Wm, bm, Wmlp1, bmlp1, Wmlp2, bmlp2):
    X = jnp.stack([x, c])
    ME = jnp.stack([me_x, me_c]).reshape(2, 1, F)
    WT1 = jnp.stack([W1e.T, W1c.T])
    S1 = jnp.stack([jnp.full((1, F), 2.0 + eps1e, jnp.float32),
                    jnp.full((1, F), 2.0 + eps1c, jnp.float32)])
    B1 = jnp.stack([b1e, b1c]).reshape(2, 1, F)
    WT2 = jnp.stack([W2e.T, W2c.T])
    S2 = jnp.stack([jnp.full((1, F), 2.0 + eps2e, jnp.float32),
                    jnp.full((1, F), 2.0 + eps2c, jnp.float32)])
    B2 = jnp.stack([b2e, b2c]).reshape(2, 1, F)

    src = edge_index[0]
    dst = edge_index[1]
    src_b = jnp.stack([src, src + N]).reshape(2, NSUB, NGROUPS, G, CHUNK)
    dst_b = jnp.broadcast_to(dst.reshape(1, NSUB, NGROUPS, G, CHUNK),
                             src_b.shape)
    sd_r = jnp.stack([src_b, dst_b], axis=4).reshape(
        2, NSUB, NGROUPS, SD, CHUNK)
    y1, base1 = _layer1_call(X, ME, WT1, S1, B1)
    acc1 = _segsum_call(y1.reshape(2 * N, F), base1.reshape(2 * N, F), sd_r)
    y2, base2 = _layer2_call(acc1.reshape(2, N, F), WT2, S2, B2)
    acc2 = _segsum_call(y2.reshape(2 * N, F), base2.reshape(2 * N, F), sd_r)

    maskf = jnp.broadcast_to(
        (central_node_index == 1).astype(jnp.float32)[:, None], (N, 8))
    xm, logits = _head_call(acc2.reshape(2, N, F), maskf, Wm.T,
                            bm.reshape(1, NC), Wmlp1.T, bmlp1.reshape(1, F),
                            Wmlp2.T, bmlp2.reshape(1, NC))
    return (xm, logits)

# --- scband reference (transcript-rebuilt; emitter-appended) ---
"""Pipeline reference for scband-ginmodel-integrated-73521250173226 (READ-ONLY COPY).

The authoritative reference and input builder live on the scoring server;
editing this copy changes nothing except your own understanding.
"""

import jax, jax.numpy as jnp
import numpy as np

N = 10000
E = 320000
F_EXP = 128
F_CNV = 128
H = 128
NC = 10


def _lin_init(key, out_f, in_f):
    k1, k2 = jax.random.split(key)
    bound = 1.0 / np.sqrt(in_f)
    W = jax.random.uniform(k1, (out_f, in_f), minval=-bound, maxval=bound, dtype=jnp.float32)
    b = jax.random.uniform(k2, (out_f,), minval=-bound, maxval=bound, dtype=jnp.float32)
    return W, b


def setup_inputs(seed: int = 0):
    key = jax.random.key(seed)
    ks = jax.random.split(key, 16)
    x = jax.random.normal(ks[0], (N, F_EXP), dtype=jnp.float32)
    c = jax.random.normal(ks[1], (N, F_CNV), dtype=jnp.float32)
    edge_index = jax.random.randint(ks[2], (2, E), 0, N, dtype=jnp.int32)
    central_node_index = jnp.ones((N,), dtype=jnp.int32)
    W1e, b1e = _lin_init(ks[3], H, F_EXP)
    W2e, b2e = _lin_init(ks[4], H, H)
    W1c, b1c = _lin_init(ks[5], H, F_CNV)
    W2c, b2c = _lin_init(ks[6], H, H)
    Wm, bm = _lin_init(ks[7], NC, 2 * H)
    Wmlp1, bmlp1 = _lin_init(ks[8], H, NC)
    Wmlp2, bmlp2 = _lin_init(ks[9], NC, H)
    me_x = jax.random.normal(ks[10], (F_EXP,), dtype=jnp.float32)
    me_c = jax.random.normal(ks[11], (F_CNV,), dtype=jnp.float32)
    eps = jnp.zeros((), dtype=jnp.float32)
    return {
        'x': x, 'c': c, 'edge_index': edge_index, 'central_node_index': central_node_index,
        'me_x': me_x, 'me_c': me_c,
        'eps1e': eps, 'W1e': W1e, 'b1e': b1e,
        'eps2e': eps, 'W2e': W2e, 'b2e': b2e,
        'eps1c': eps, 'W1c': W1c, 'b1c': b1c,
        'eps2c': eps, 'W2c': W2c, 'b2c': b2c,
        'Wm': Wm, 'bm': bm,
        'Wmlp1': Wmlp1, 'bmlp1': bmlp1, 'Wmlp2': Wmlp2, 'bmlp2': bmlp2,
    }


def _lrelu(v):
    return jnp.where(v >= 0, v, 0.2 * v)


def reference(x, c, edge_index, central_node_index, me_x, me_c,
              eps1e, W1e, b1e, eps2e, W2e, b2e,
              eps1c, W1c, b1c, eps2c, W2c, b2c,
              Wm, bm, Wmlp1, bmlp1, Wmlp2, bmlp2):
    n = x.shape[0]
    loop = jnp.arange(n, dtype=edge_index.dtype)
    src = jnp.concatenate([edge_index[0], loop])
    dst = jnp.concatenate([edge_index[1], loop])
    # replace missing (zero) entries with learned embeddings (broadcast per-feature)
    x = jnp.where(x == 0, me_x[None, :], x)
    c = jnp.where(c == 0, me_c[None, :], c)

    def gin(h, eps, W, b):
        agg = jax.ops.segment_sum(h[src], dst, num_segments=n)
        return ((1.0 + eps) * h + agg) @ W.T + b

    x_exp = _lrelu(gin(x, eps1e, W1e, b1e))
    x_exp = _lrelu(gin(x_exp, eps2e, W2e, b2e))
    x_cnv = _lrelu(gin(c, eps1c, W1c, b1c))
    x_cnv = _lrelu(gin(x_cnv, eps2c, W2c, b2c))
    xm = jnp.concatenate([x_exp, x_cnv], axis=1) @ Wm.T + bm
    xm = _lrelu(xm)
    central = jnp.where((central_node_index == 1)[:, None], xm, jnp.zeros_like(xm))
    h = jax.nn.relu(central @ Wmlp1.T + bmlp1)
    histology_logits = h @ Wmlp2.T + bmlp2
    return (xm, histology_logits)

if __name__ == "__main__":
    import jax
    _d = setup_inputs()
    print(jax.jit(kernel)(*tuple(_d.values())))

</pallas_src>

<mosaic_0001>
#map = affine_map<(d0, d1) -> (0, 0)>
#map1 = affine_map<(d0, d1) -> (0, 0, 0, 0, 0)>
module attributes {stable_mosaic.version = 14 : i64} {
  func.func @_sc_body(%arg0: i32, %arg1: i32, %arg2: memref<20000x128xf32, #tpu.memory_space<hbm>>, %arg3: memref<20000x128xf32, #tpu.memory_space<hbm>>, %arg4: memref<2x16x25x20x80xi32, #tpu.memory_space<hbm>>, %arg5: memref<20000x128xf32, #tpu.memory_space<hbm>>, %arg6: memref<2x20x80xi32, #tpu.memory_space<vmem>>, %arg7: memref<320x128xf32, #tpu.memory_space<vmem>>, %arg8: memref<10000x128xf32, #tpu.memory_space<vmem_shared>>, %arg9: memref<4x!tpu.dma_semaphore, #tpu.memory_space<semaphore_mem>>, %arg10: memref<2x!tpu.dma_semaphore, #tpu.memory_space<semaphore_mem>>) attributes {dimension_semantics = [#tpu.dimension_semantics<core_parallel>, #tpu.dimension_semantics<subcore_parallel>], iteration_bounds = array<i64: 2, 16>, scalar_prefetch = 0 : i64, scratch_operands = 5 : i64, tpu.core_type = #tpu.core_type<sc_vector_subcore>, window_params = [{transform_indices = #map}, {transform_indices = #map}, {transform_indices = #map1}, {transform_indices = #map}]} {
    %mul3A = arith.constant 640 : i32
    %mul3A_0 = arith.muli %arg1, %mul3A : i32
    %min3A = arith.constant 9360 : i32
    %min3A_1 = arith.minsi %mul3A_0, %min3A : i32
    %multiple_of3A = tpu.assume_multiple %min3A_1, 8 : i32
    %mul3A_2 = arith.constant 10000 : i32
    %mul3A_3 = arith.muli %arg0, %mul3A_2 : i32
    %add3A = arith.addi %mul3A_3, %multiple_of3A : i32
    "tpu.region"() ({
      %run_scoped3A_78 = tpu.sem_alloc : memref<!tpu.dma_semaphore, #tpu.memory_space<semaphore_mem>>
      %dma_start3A_79 = arith.constant 0 : i32
      %dma_start3A_80 = tpu.memref_slice %arg8[%multiple_of3A, %dma_start3A_79] : memref<10000x128xf32, #tpu.memory_space<vmem_shared>> -> memref<640x128xf32, #tpu.memory_space<vmem_shared>>
      %dma_start3A_81 = arith.constant 0 : i32
      %dma_start3A_82 = tpu.memref_slice %arg3[%add3A, %dma_start3A_81] : memref<20000x128xf32, #tpu.memory_space<hbm>> -> memref<640x128xf32, #tpu.memory_space<hbm>>
      tpu.enqueue_dma source(%dma_start3A_82 : memref<640x128xf32, #tpu.memory_space<hbm>>) target(%dma_start3A_80 : memref<640x128xf32, #tpu.memory_space<vmem_shared>>) target_semaphore(%run_scoped3A_78 : memref<!tpu.dma_semaphore, #tpu.memory_space<semaphore_mem>>)
      %dma_wait3A = arith.constant 0 : i32
      %dma_wait3A_83 = tpu.memref_slice %arg8[%multiple_of3A, %dma_wait3A] : memref<10000x128xf32, #tpu.memory_space<vmem_shared>> -> memref<640x128xf32, #tpu.memory_space<vmem_shared>>
      %dma_wait3A_84 = arith.constant 0 : i32
      %dma_wait3A_85 = tpu.memref_slice %arg3[%add3A, %dma_wait3A_84] : memref<20000x128xf32, #tpu.memory_space<hbm>> -> memref<640x128xf32, #tpu.memory_space<hbm>>
      tpu.wait_dma2 semaphore(%run_scoped3A_78 : memref<!tpu.dma_semaphore, #tpu.memory_space<semaphore_mem>>) src(%dma_wait3A_85 : memref<640x128xf32, #tpu.memory_space<hbm>>) dst(%dma_wait3A_83 : memref<640x128xf32, #tpu.memory_space<vmem_shared>>)
      tpu.yield
    }) : () -> ()
    %run_scoped3A = arith.constant 0 : i32
    %run_scoped3A_4 = arith.constant 0 : i32
    "tpu.region"() ({
      %run_scoped3A_78 = tpu.sem_alloc : memref<!tpu.dma_semaphore, #tpu.memory_space<semaphore_mem>>
      %dma_start3A_79 = arith.constant 0 : i32
      %dma_start3A_80 = arith.constant 0 : i32
      %dma_start3A_81 = tpu.memref_slice %arg6[%run_scoped3A_4, %dma_start3A_79, %dma_start3A_80] : memref<2x20x80xi32, #tpu.memory_space<vmem>> -> memref<1x20x80xi32, #tpu.memory_space<vmem>>
      %dma_start3A_82 = tpu.memref_squeeze %dma_start3A_81 : memref<1x20x80xi32, #tpu.memory_space<vmem>> -> memref<20x80xi32, #tpu.memory_space<vmem>>
      %dma_start3A_83 = arith.constant 0 : i32
      %dma_start3A_84 = arith.constant 0 : i32
      %dma_start3A_85 = tpu.memref_slice %arg4[%arg0, %arg1, %run_scoped3A, %dma_start3A_83, %dma_start3A_84] : memref<2x16x25x20x80xi32, #tpu.memory_space<hbm>> -> memref<1x1x1x20x80xi32, #tpu.memory_space<hbm>>
      %dma_start3A_86 = tpu.memref_squeeze %dma_start3A_85 : memref<1x1x1x20x80xi32, #tpu.memory_space<hbm>> -> memref<20x80xi32, #tpu.memory_space<hbm>>
      %dma_start3A_87 = arith.constant 0 : i32
      %dma_start3A_88 = arith.constant 0 : i32
      %dma_start3A_89 = tpu.memref_slice %arg6[%run_scoped3A_4, %dma_start3A_87, %dma_start3A_88] : memref<2x20x80xi32, #tpu.memory_space<vmem>> -> memref<1x20x80xi32, #tpu.memory_space<vmem>>
      %dma_start3A_90 = tpu.memref_squeeze %dma_start3A_89 : memref<1x20x80xi32, #tpu.memory_space<vmem>> -> memref<20x80xi32, #tpu.memory_space<vmem>>
      %dma_start3A_91 = arith.constant 0 : i32
      %dma_start3A_92 = arith.constant 0 : i32
      %dma_start3A_93 = tpu.memref_slice %arg4[%arg0, %arg1, %run_scoped3A, %dma_start3A_91, %dma_start3A_92] : memref<2x16x25x20x80xi32, #tpu.memory_space<hbm>> -> memref<1x1x1x20x80xi32, #tpu.memory_space<hbm>>
      %dma_start3A_94 = tpu.memref_squeeze %dma_start3A_93 : memref<1x1x1x20x80xi32, #tpu.memory_space<hbm>> -> memref<20x80xi32, #tpu.memory_space<hbm>>
      tpu.enqueue_dma source(%dma_start3A_94 : memref<20x80xi32, #tpu.memory_space<hbm>>) target(%dma_start3A_90 : memref<20x80xi32, #tpu.memory_space<vmem>>) target_semaphore(%run_scoped3A_78 : memref<!tpu.dma_semaphore, #tpu.memory_space<semaphore_mem>>)
      %dma_wait3A = arith.constant 0 : i32
      %dma_wait3A_95 = arith.constant 0 : i32
      %dma_wait3A_96 = tpu.memref_slice %arg6[%run_scoped3A_4, %dma_wait3A, %dma_wait3A_95] : memref<2x20x80xi32, #tpu.memory_space<vmem>> -> memref<1x20x80xi32, #tpu.memory_space<vmem>>
      %dma_wait3A_97 = tpu.memref_squeeze %dma_wait3A_96 : memref<1x20x80xi32, #tpu.memory_space<vmem>> -> memref<20x80xi32, #tpu.memory_space<vmem>>
      %dma_wait3A_98 = arith.constant 0 : i32
      %dma_wait3A_99 = arith.constant 0 : i32
      %dma_wait3A_100 = tpu.memref_slice %arg4[%arg0, %arg1, %run_scoped3A, %dma_wait3A_98, %dma_wait3A_99] : memref<2x16x25x20x80xi32, #tpu.memory_space<hbm>> -> memref<1x1x1x20x80xi32, #tpu.memory_space<hbm>>
      %dma_wait3A_101 = tpu.memref_squeeze %dma_wait3A_100 : memref<1x1x1x20x80xi32, #tpu.memory_space<hbm>> -> memref<20x80xi32, #tpu.memory_space<hbm>>
      %dma_wait3A_102 = arith.constant 0 : i32
      %dma_wait3A_103 = arith.constant 0 : i32
      %dma_wait3A_104 = tpu.memref_slice %arg6[%run_scoped3A_4, %dma_wait3A_102, %dma_wait3A_103] : memref<2x20x80xi32, #tpu.memory_space<vmem>> -> memref<1x20x80xi32, #tpu.memory_space<vmem>>
      %dma_wait3A_105 = tpu.memref_squeeze %dma_wait3A_104 : memref<1x20x80xi32, #tpu.memory_space<vmem>> -> memref<20x80xi32, #tpu.memory_space<vmem>>
      %dma_wait3A_106 = arith.constant 0 : i32
      %dma_wait3A_107 = arith.constant 0 : i32
      %dma_wait3A_108 = tpu.memref_slice %arg4[%arg0, %arg1, %run_scoped3A, %dma_wait3A_106, %dma_wait3A_107] : memref<2x16x25x20x80xi32, #tpu.memory_space<hbm>> -> memref<1x1x1x20x80xi32, #tpu.memory_space<hbm>>
      %dma_wait3A_109 = tpu.memref_squeeze %dma_wait3A_108 : memref<1x1x1x20x80xi32, #tpu.memory_space<hbm>> -> memref<20x80xi32, #tpu.memory_space<hbm>>
      tpu.wait_dma2 semaphore(%run_scoped3A_78 : memref<!tpu.dma_semaphore, #tpu.memory_space<semaphore_mem>>) src(%dma_wait3A_109 : memref<20x80xi32, #tpu.memory_space<hbm>>) dst(%dma_wait3A_105 : memref<20x80xi32, #tpu.memory_space<vmem>>)
      tpu.yield
    }) : () -> ()
    %barrier3A = arith.constant 0 : index
    tpu.barrier barrier_id(%barrier3A)
    %dma_start3A = arith.constant 0 : i32
    %dma_start3A_5 = arith.constant 0 : i32
    %dma_start3A_6 = arith.constant 0 : i32
    %dma_start3A_7 = arith.constant 0 : i32
    %dma_start3A_8 = arith.constant 0 : i32
    %dma_start3A_9 = tpu.memref_slice %arg7[%dma_start3A_7, %dma_start3A_8] : memref<320x128xf32, #tpu.memory_space<vmem>> -> memref<80x128xf32, #tpu.memory_space<vmem>>
    %dma_start3A_10 = arith.constant 0 : i32
    %dma_start3A_11 = tpu.memref_slice %arg6[%dma_start3A, %dma_start3A_5, %dma_start3A_10] : memref<2x20x80xi32, #tpu.memory_space<vmem>> -> memref<1x1x80xi32, #tpu.memory_space<vmem>>
    %dma_start3A_12 = tpu.memref_squeeze %dma_start3A_11 : memref<1x1x80xi32, #tpu.memory_space<vmem>> -> memref<80xi32, #tpu.memory_space<vmem>>
    %dma_start3A_13 = arith.constant 0 : i32
    %dma_start3A_14 = arith.constant 0 : i32
    %dma_start3A_15 = tpu.memref_slice %arg2[%dma_start3A_13, %dma_start3A_14] : memref<20000x128xf32, #tpu.memory_space<hbm>> -> memref<20000x128xf32, #tpu.memory_space<hbm>>
    %dma_start3A_16 = tpu.memref_slice %arg9[%dma_start3A_6] : memref<4x!tpu.dma_semaphore, #tpu.memory_space<semaphore_mem>> -> memref<1x!tpu.dma_semaphore, #tpu.memory_space<semaphore_mem>>
    %dma_start3A_17 = tpu.memref_squeeze %dma_start3A_16 : memref<1x!tpu.dma_semaphore, #tpu.memory_space<semaphore_mem>> -> memref<!tpu.dma_semaphore, #tpu.memory_space<semaphore_mem>>
    tpu.enqueue_indirect_dma source(%dma_start3A_15 : memref<20000x128xf32, #tpu.memory_space<hbm>>) target(%dma_start3A_9 : memref<80x128xf32, #tpu.memory_space<vmem>>) offsets(%dma_start3A_12 : memref<80xi32, #tpu.memory_space<vmem>>) semaphore(%dma_start3A_17 : memref<!tpu.dma_semaphore, #tpu.memory_space<semaphore_mem>>)
    %dma_start3A_18 = arith.constant 0 : i32
    %dma_start3A_19 = arith.constant 2 : i32
    %dma_start3A_20 = arith.constant 1 : i32
    %dma_start3A_21 = arith.constant 80 : i32
    %dma_start3A_22 = arith.constant 0 : i32
    %dma_start3A_23 = tpu.memref_slice %arg7[%dma_start3A_21, %dma_start3A_22] : memref<320x128xf32, #tpu.memory_space<vmem>> -> memref<80x128xf32, #tpu.memory_space<vmem>>
    %dma_start3A_24 = arith.constant 0 : i32
    %dma_start3A_25 = tpu.memref_slice %arg6[%dma_start3A_18, %dma_start3A_19, %dma_start3A_24] : memref<2x20x80xi32, #tpu.memory_space<vmem>> -> memref<1x1x80xi32, #tpu.memory_space<vmem>>
    %dma_start3A_26 = tpu.memref_squeeze %dma_start3A_25 : memref<1x1x80xi32, #tpu.memory_space<vmem>> -> memref<80xi32, #tpu.memory_space<vmem>>
    %dma_start3A_27 = arith.constant 0 : i32
    %dma_start3A_28 = arith.constant 0 : i32
    %dma_start3A_29 = tpu.memref_slice %arg2[%dma_start3A_27, %dma_start3A_28] : memref<20000x128xf32, #tpu.memory_space<hbm>> -> memref<20000x128xf32, #tpu.memory_space<hbm>>
    %dma_start3A_30 = tpu.memref_slice %arg9[%dma_start3A_20] : memref<4x!tpu.dma_semaphore, #tpu.memory_space<semaphore_mem>> -> memref<1x!tpu.dma_semaphore, #tpu.memory_space<semaphore_mem>>
    %dma_start3A_31 = tpu.memref_squeeze %dma_start3A_30 : memref<1x!tpu.dma_semaphore, #tpu.memory_space<semaphore_mem>> -> memref<!tpu.dma_semaphore, #tpu.memory_space<semaphore_mem>>
    tpu.enqueue_indirect_dma source(%dma_start3A_29 : memref<20000x128xf32, #tpu.memory_space<hbm>>) target(%dma_start3A_23 : memref<80x128xf32, #tpu.memory_space<vmem>>) offsets(%dma_start3A_26 : memref<80xi32, #tpu.memory_space<vmem>>) semaphore(%dma_start3A_31 : memref<!tpu.dma_semaphore, #tpu.memory_space<semaphore_mem>>)
    %dma_start3A_32 = arith.constant 0 : i32
    %dma_start3A_33 = arith.constant 4 : i32
    %dma_start3A_34 = arith.constant 2 : i32
    %dma_start3A_35 = arith.constant 160 : i32
    %dma_start3A_36 = arith.constant 0 : i32
    %dma_start3A_37 = tpu.memref_slice %arg7[%dma_start3A_35, %dma_start3A_36] : memref<320x128xf32, #tpu.memory_space<vmem>> -> memref<80x128xf32, #tpu.memory_space<vmem>>
    %dma_start3A_38 = arith.constant 0 : i32
    %dma_start3A_39 = tpu.memref_slice %arg6[%dma_start3A_32, %dma_start3A_33, %dma_start3A_38] : memref<2x20x80xi32, #tpu.memory_space<vmem>> -> memref<1x1x80xi32, #tpu.memory_space<vmem>>
    %dma_start3A_40 = tpu.memref_squeeze %dma_start3A_39 : memref<1x1x80xi32, #tpu.memory_space<vmem>> -> memref<80xi32, #tpu.memory_space<vmem>>
    %dma_start3A_41 = arith.constant 0 : i32
    %dma_start3A_42 = arith.constant 0 : i32
    %dma_start3A_43 = tpu.memref_slice %arg2[%dma_start3A_41, %dma_start3A_42] : memref<20000x128xf32, #tpu.memory_space<hbm>> -> memref<20000x128xf32, #tpu.memory_space<hbm>>
    %dma_start3A_44 = tpu.memref_slice %arg9[%dma_start3A_34] : memref<4x!tpu.dma_semaphore, #tpu.memory_space<semaphore_mem>> -> memref<1x!tpu.dma_semaphore, #tpu.memory_space<semaphore_mem>>
    %dma_start3A_45 = tpu.memref_squeeze %dma_start3A_44 : memref<1x!tpu.dma_semaphore, #tpu.memory_space<semaphore_mem>> -> memref<!tpu.dma_semaphore, #tpu.memory_space<semaphore_mem>>
    tpu.enqueue_indirect_dma source(%dma_start3A_43 : memref<20000x128xf32, #tpu.memory_space<hbm>>) target(%dma_start3A_37 : memref<80x128xf32, #tpu.memory_space<vmem>>) offsets(%dma_start3A_40 : memref<80xi32, #tpu.memory_space<vmem>>) semaphore(%dma_start3A_45 : memref<!tpu.dma_semaphore, #tpu.memory_space<semaphore_mem>>)
    %dma_start3A_46 = arith.constant 0 : i32
    %dma_start3A_47 = arith.constant 6 : i32
    %dma_start3A_48 = arith.constant 3 : i32
    %dma_start3A_49 = arith.constant 240 : i32
    %dma_start3A_50 = arith.constant 0 : i32
    %dma_start3A_51 = tpu.memref_slice %arg7[%dma_start3A_49, %dma_start3A_50] : memref<320x128xf32, #tpu.memory_space<vmem>> -> memref<80x128xf32, #tpu.memory_space<vmem>>
    %dma_start3A_52 = arith.constant 0 : i32
    %dma_start3A_53 = tpu.memref_slice %arg6[%dma_start3A_46, %dma_start3A_47, %dma_start3A_52] : memref<2x20x80xi32, #tpu.memory_space<vmem>> -> memref<1x1x80xi32, #tpu.memory_space<vmem>>
    %dma_start3A_54 = tpu.memref_squeeze %dma_start3A_53 : memref<1x1x80xi32, #tpu.memory_space<vmem>> -> memref<80xi32, #tpu.memory_space<vmem>>
    %dma_start3A_55 = arith.constant 0 : i32
    %dma_start3A_56 = arith.constant 0 : i32
    %dma_start3A_57 = tpu.memref_slice %arg2[%dma_start3A_55, %dma_start3A_56] : memref<20000x128xf32, #tpu.memory_space<hbm>> -> memref<20000x128xf32, #tpu.memory_space<hbm>>
    %dma_start3A_58 = tpu.memref_slice %arg9[%dma_start3A_48] : memref<4x!tpu.dma_semaphore, #tpu.memory_space<semaphore_mem>> -> memref<1x!tpu.dma_semaphore, #tpu.memory_space<semaphore_mem>>
    %dma_start3A_59 = tpu.memref_squeeze %dma_start3A_58 : memref<1x!tpu.dma_semaphore, #tpu.memory_space<semaphore_mem>> -> memref<!tpu.dma_semaphore, #tpu.memory_space<semaphore_mem>>
    tpu.enqueue_indirect_dma source(%dma_start3A_57 : memref<20000x128xf32, #tpu.memory_space<hbm>>) target(%dma_start3A_51 : memref<80x128xf32, #tpu.memory_space<vmem>>) offsets(%dma_start3A_54 : memref<80xi32, #tpu.memory_space<vmem>>) semaphore(%dma_start3A_59 : memref<!tpu.dma_semaphore, #tpu.memory_space<semaphore_mem>>)
    %scan3A = arith.constant 0 : i32
    %scan3A_60 = arith.constant 0 : i32
    %scan3A_61 = arith.constant 250 : i32
    %scan3A_62 = arith.addi %scan3A_60, %scan3A_61 : i32
    %scan3A_63 = arith.constant 1 : i32
    scf.for %scan3A_78 = %scan3A_60 to %scan3A_62 step %scan3A_63  : i32 {
      %rem3A = arith.constant 4 : i32
      %rem3A_79 = arith.remsi %scan3A_78, %rem3A : i32
      %div3A = arith.constant 10 : i32
      %div3A_80 = arith.divsi %scan3A_78, %div3A : i32
      %rem3A_81 = arith.constant 10 : i32
      %rem3A_82 = arith.remsi %scan3A_78, %rem3A_81 : i32
      %rem3A_83 = arith.constant 2 : i32
      %rem3A_84 = arith.remsi %div3A_80, %rem3A_83 : i32
      %eq3A = arith.constant 0 : i32
      %eq3A_85 = arith.cmpi eq, %rem3A_82, %eq3A : i32
      %add3A_86 = arith.constant 1 : i32
      %add3A_87 = arith.addi %div3A_80, %add3A_86 : i32
      %lt3A = arith.constant 25 : i32
      %lt3A_88 = arith.cmpi slt, %add3A_87, %lt3A : i32
      %and3A = arith.andi %eq3A_85, %lt3A_88 : i1
      %convert_element_type3A = arith.extui %and3A : i1 to i32
      %cond3A = arith.constant 0 : i32
      %cond3A_89 = arith.cmpi ne, %convert_element_type3A, %cond3A : i32
      scf.if %cond3A_89 {
        %add3A_125 = arith.constant 1 : i32
        %add3A_126 = arith.addi %div3A_80, %add3A_125 : i32
        %sub3A = arith.constant 1 : i32
        %sub3A_127 = arith.subi %sub3A, %rem3A_84 : i32
        %sub3A_128 = arith.constant 1 : i32
        %sub3A_129 = arith.subi %sub3A_128, %rem3A_84 : i32
        %dma_start3A_130 = arith.constant 0 : i32
        %dma_start3A_131 = arith.constant 0 : i32
        %dma_start3A_132 = tpu.memref_slice %arg6[%sub3A_127, %dma_start3A_130, %dma_start3A_131] : memref<2x20x80xi32, #tpu.memory_space<vmem>> -> memref<1x20x80xi32, #tpu.memory_space<vmem>>
        %dma_start3A_133 = tpu.memref_squeeze %dma_start3A_132 : memref<1x20x80xi32, #tpu.memory_space<vmem>> -> memref<20x80xi32, #tpu.memory_space<vmem>>
        %dma_start3A_134 = arith.constant 0 : i32
        %dma_start3A_135 = arith.constant 0 : i32
        %dma_start3A_136 = tpu.memref_slice %arg4[%arg0, %arg1, %add3A_126, %dma_start3A_134, %dma_start3A_135] : memref<2x16x25x20x80xi32, #tpu.memory_space<hbm>> -> memref<1x1x1x20x80xi32, #tpu.memory_space<hbm>>
        %dma_start3A_137 = tpu.memref_squeeze %dma_start3A_136 : memref<1x1x1x20x80xi32, #tpu.memory_space<hbm>> -> memref<20x80xi32, #tpu.memory_space<hbm>>
        %dma_start3A_138 = tpu.memref_slice %arg10[%sub3A_129] : memref<2x!tpu.dma_semaphore, #tpu.memory_space<semaphore_mem>> -> memref<1x!tpu.dma_semaphore, #tpu.memory_space<semaphore_mem>>
        %dma_start3A_139 = tpu.memref_squeeze %dma_start3A_138 : memref<1x!tpu.dma_semaphore, #tpu.memory_space<semaphore_mem>> -> memref<!tpu.dma_semaphore, #tpu.memory_space<semaphore_mem>>
        %dma_start3A_140 = arith.constant 0 : i32
        %dma_start3A_141 = arith.constant 0 : i32
        %dma_start3A_142 = tpu.memref_slice %arg6[%sub3A_127, %dma_start3A_140, %dma_start3A_141] : memref<2x20x80xi32, #tpu.memory_space<vmem>> -> memref<1x20x80xi32, #tpu.memory_space<vmem>>
        %dma_start3A_143 = tpu.memref_squeeze %dma_start3A_142 : memref<1x20x80xi32, #tpu.memory_space<vmem>> -> memref<20x80xi32, #tpu.memory_space<vmem>>
        %dma_start3A_144 = arith.constant 0 : i32
        %dma_start3A_145 = arith.constant 0 : i32
        %dma_start3A_146 = tpu.memref_slice %arg4[%arg0, %arg1, %add3A_126, %dma_start3A_144, %dma_start3A_145] : memref<2x16x25x20x80xi32, #tpu.memory_space<hbm>> -> memref<1x1x1x20x80xi32, #tpu.memory_space<hbm>>
        %dma_start3A_147 = tpu.memref_squeeze %dma_start3A_146 : memref<1x1x1x20x80xi32, #tpu.memory_space<hbm>> -> memref<20x80xi32, #tpu.memory_space<hbm>>
        tpu.enqueue_dma source(%dma_start3A_147 : memref<20x80xi32, #tpu.memory_space<hbm>>) target(%dma_start3A_143 : memref<20x80xi32, #tpu.memory_space<vmem>>) target_semaphore(%dma_start3A_139 : memref<!tpu.dma_semaphore, #tpu.memory_space<semaphore_mem>>)
      } else {
      }
      %mul3A_90 = arith.constant 80 : i32
      %mul3A_91 = arith.muli %rem3A_79, %mul3A_90 : i32
      %multiple_of3A_92 = tpu.assume_multiple %mul3A_91, 8 : i32
      %dma_wait3A = arith.constant 0 : i32
      %dma_wait3A_93 = arith.constant 0 : i32
      %dma_wait3A_94 = arith.constant 0 : i32
      %dma_wait3A_95 = tpu.memref_slice %arg7[%multiple_of3A_92, %dma_wait3A_94] : memref<320x128xf32, #tpu.memory_space<vmem>> -> memref<80x128xf32, #tpu.memory_space<vmem>>
      %dma_wait3A_96 = arith.constant 0 : i32
      %dma_wait3A_97 = tpu.memref_slice %arg6[%dma_wait3A, %dma_wait3A_93, %dma_wait3A_96] : memref<2x20x80xi32, #tpu.memory_space<vmem>> -> memref<1x1x80xi32, #tpu.memory_space<vmem>>
      %dma_wait3A_98 = tpu.memref_squeeze %dma_wait3A_97 : memref<1x1x80xi32, #tpu.memory_space<vmem>> -> memref<80xi32, #tpu.memory_space<vmem>>
      %dma_wait3A_99 = arith.constant 0 : i32
      %dma_wait3A_100 = arith.constant 0 : i32
      %dma_wait3A_101 = tpu.memref_slice %arg2[%dma_wait3A_99, %dma_wait3A_100] : memref<20000x128xf32, #tpu.memory_space<hbm>> -> memref<20000x128xf32, #tpu.memory_space<hbm>>
      %dma_wait3A_102 = tpu.memref_slice %arg9[%rem3A_79] : memref<4x!tpu.dma_semaphore, #tpu.memory_space<semaphore_mem>> -> memref<1x!tpu.dma_semaphore, #tpu.memory_space<semaphore_mem>>
      %dma_wait3A_103 = tpu.memref_squeeze %dma_wait3A_102 : memref<1x!tpu.dma_semaphore, #tpu.memory_space<semaphore_mem>> -> memref<!tpu.dma_semaphore, #tpu.memory_space<semaphore_mem>>
      tpu.wait_indirect_dma semaphore(%dma_wait3A_103 : memref<!tpu.dma_semaphore, #tpu.memory_space<semaphore_mem>>) src(%dma_wait3A_101 : memref<20000x128xf32, #tpu.memory_space<hbm>>) dst(%dma_wait3A_95 : memref<80x128xf32, #tpu.memory_space<vmem>>)
      %mul3A_104 = arith.constant 2 : i32
      %mul3A_105 = arith.muli %mul3A_104, %rem3A_82 : i32
      %add3A_106 = arith.constant 1 : i32
      %add3A_107 = arith.addi %mul3A_105, %add3A_106 : i32
      "tpu.region"() ({
        %run_scoped3A_125 = tpu.sem_alloc : memref<!tpu.dma_semaphore, #tpu.memory_space<semaphore_mem>>
        %dma_start3A_126 = arith.constant 0 : i32
        %dma_start3A_127 = tpu.memref_slice %arg7[%multiple_of3A_92, %dma_start3A_126] : memref<320x128xf32, #tpu.memory_space<vmem>> -> memref<80x128xf32, #tpu.memory_space<vmem>>
        %dma_start3A_128 = arith.constant 0 : i32
        %dma_start3A_129 = tpu.memref_slice %arg6[%rem3A_84, %add3A_107, %dma_start3A_128] : memref<2x20x80xi32, #tpu.memory_space<vmem>> -> memref<1x1x80xi32, #tpu.memory_space<vmem>>
        %dma_start3A_130 = tpu.memref_squeeze %dma_start3A_129 : memref<1x1x80xi32, #tpu.memory_space<vmem>> -> memref<80xi32, #tpu.memory_space<vmem>>
        %dma_start3A_131 = arith.constant 0 : i32
        %dma_start3A_132 = arith.constant 0 : i32
        %dma_start3A_133 = tpu.memref_slice %arg8[%dma_start3A_131, %dma_start3A_132] : memref<10000x128xf32, #tpu.memory_space<vmem_shared>> -> memref<10000x128xf32, #tpu.memory_space<vmem_shared>>
        tpu.enqueue_indirect_dma source(%dma_start3A_127 : memref<80x128xf32, #tpu.memory_space<vmem>>) target(%dma_start3A_133 : memref<10000x128xf32, #tpu.memory_space<vmem_shared>>) offsets(%dma_start3A_130 : memref<80xi32, #tpu.memory_space<vmem>>) semaphore(%run_scoped3A_125 : memref<!tpu.dma_semaphore, #tpu.memory_space<semaphore_mem>>) {add = true}
        %dma_wait3A_134 = arith.constant 0 : i32
        %dma_wait3A_135 = tpu.memref_slice %arg7[%multiple_of3A_92, %dma_wait3A_134] : memref<320x128xf32, #tpu.memory_space<vmem>> -> memref<80x128xf32, #tpu.memory_space<vmem>>
        %dma_wait3A_136 = arith.constant 0 : i32
        %dma_wait3A_137 = tpu.memref_slice %arg6[%rem3A_84, %add3A_107, %dma_wait3A_136] : memref<2x20x80xi32, #tpu.memory_space<vmem>> -> memref<1x1x80xi32, #tpu.memory_space<vmem>>
        %dma_wait3A_138 = tpu.memref_squeeze %dma_wait3A_137 : memref<1x1x80xi32, #tpu.memory_space<vmem>> -> memref<80xi32, #tpu.memory_space<vmem>>
        %dma_wait3A_139 = arith.constant 0 : i32
        %dma_wait3A_140 = arith.constant 0 : i32
        %dma_wait3A_141 = tpu.memref_slice %arg8[%dma_wait3A_139, %dma_wait3A_140] : memref<10000x128xf32, #tpu.memory_space<vmem_shared>> -> memref<10000x128xf32, #tpu.memory_space<vmem_shared>>
        tpu.wait_indirect_dma semaphore(%run_scoped3A_125 : memref<!tpu.dma_semaphore, #tpu.memory_space<semaphore_mem>>) src(%dma_wait3A_135 : memref<80x128xf32, #tpu.memory_space<vmem>>) dst(%dma_wait3A_141 : memref<10000x128xf32, #tpu.memory_space<vmem_shared>>)
        tpu.yield
      }) : () -> ()
      %eq3A_108 = arith.constant 6 : i32
      %eq3A_109 = arith.cmpi eq, %rem3A_82, %eq3A_108 : i32
      %add3A_110 = arith.constant 1 : i32
      %add3A_111 = arith.addi %div3A_80, %add3A_110 : i32
      %lt3A_112 = arith.constant 25 : i32
      %lt3A_113 = arith.cmpi slt, %add3A_111, %lt3A_112 : i32
      %and3A_114 = arith.andi %eq3A_109, %lt3A_113 : i1
      %convert_element_type3A_115 = arith.extui %and3A_114 : i1 to i32
      %cond3A_116 = arith.constant 0 : i32
      %cond3A_117 = arith.cmpi ne, %convert_element_type3A_115, %cond3A_116 : i32
      scf.if %cond3A_117 {
        %sub3A = arith.constant 1 : i32
        %sub3A_125 = arith.subi %sub3A, %rem3A_84 : i32
        %sub3A_126 = arith.constant 1 : i32
        %sub3A_127 = arith.subi %sub3A_126, %rem3A_84 : i32
        %dma_wait3A_128 = arith.constant 0 : i32
        %dma_wait3A_129 = arith.constant 0 : i32
        %dma_wait3A_130 = arith.constant 0 : i32
        %dma_wait3A_131 = tpu.memref_slice %arg6[%sub3A_125, %dma_wait3A_129, %dma_wait3A_130] : memref<2x20x80xi32, #tpu.memory_space<vmem>> -> memref<1x20x80xi32, #tpu.memory_space<vmem>>
        %dma_wait3A_132 = tpu.memref_squeeze %dma_wait3A_131 : memref<1x20x80xi32, #tpu.memory_space<vmem>> -> memref<20x80xi32, #tpu.memory_space<vmem>>
        %dma_wait3A_133 = arith.constant 0 : i32
        %dma_wait3A_134 = arith.constant 0 : i32
        %dma_wait3A_135 = tpu.memref_slice %arg4[%arg0, %arg1, %dma_wait3A_128, %dma_wait3A_133, %dma_wait3A_134] : memref<2x16x25x20x80xi32, #tpu.memory_space<hbm>> -> memref<1x1x1x20x80xi32, #tpu.memory_space<hbm>>
        %dma_wait3A_136 = tpu.memref_squeeze %dma_wait3A_135 : memref<1x1x1x20x80xi32, #tpu.memory_space<hbm>> -> memref<20x80xi32, #tpu.memory_space<hbm>>
        %dma_wait3A_137 = tpu.memref_slice %arg10[%sub3A_127] : memref<2x!tpu.dma_semaphore, #tpu.memory_space<semaphore_mem>> -> memref<1x!tpu.dma_semaphore, #tpu.memory_space<semaphore_mem>>
        %dma_wait3A_138 = tpu.memref_squeeze %dma_wait3A_137 : memref<1x!tpu.dma_semaphore, #tpu.memory_space<semaphore_mem>> -> memref<!tpu.dma_semaphore, #tpu.memory_space<semaphore_mem>>
        %dma_wait3A_139 = arith.constant 0 : i32
        %dma_wait3A_140 = arith.constant 0 : i32
        %dma_wait3A_141 = tpu.memref_slice %arg6[%sub3A_125, %dma_wait3A_139, %dma_wait3A_140] : memref<2x20x80xi32, #tpu.memory_space<vmem>> -> memref<1x20x80xi32, #tpu.memory_space<vmem>>
        %dma_wait3A_142 = tpu.memref_squeeze %dma_wait3A_141 : memref<1x20x80xi32, #tpu.memory_space<vmem>> -> memref<20x80xi32, #tpu.memory_space<vmem>>
        %dma_wait3A_143 = arith.constant 0 : i32
        %dma_wait3A_144 = arith.constant 0 : i32
        %dma_wait3A_145 = tpu.memref_slice %arg4[%arg0, %arg1, %dma_wait3A_128, %dma_wait3A_143, %dma_wait3A_144] : memref<2x16x25x20x80xi32, #tpu.memory_space<hbm>> -> memref<1x1x1x20x80xi32, #tpu.memory_space<hbm>>
        %dma_wait3A_146 = tpu.memref_squeeze %dma_wait3A_145 : memref<1x1x1x20x80xi32, #tpu.memory_space<hbm>> -> memref<20x80xi32, #tpu.memory_space<hbm>>
        tpu.wait_dma2 semaphore(%dma_wait3A_138 : memref<!tpu.dma_semaphore, #tpu.memory_space<semaphore_mem>>) src(%dma_wait3A_146 : memref<20x80xi32, #tpu.memory_space<hbm>>) dst(%dma_wait3A_142 : memref<20x80xi32, #tpu.memory_space<vmem>>)
      } else {
      }
      %add3A_118 = arith.constant 4 : i32
      %add3A_119 = arith.addi %scan3A_78, %add3A_118 : i32
      %lt3A_120 = arith.constant 250 : i32
      %lt3A_121 = arith.cmpi slt, %add3A_119, %lt3A_120 : i32
      %convert_element_type3A_122 = arith.extui %lt3A_121 : i1 to i32
      %cond3A_123 = arith.constant 0 : i32
      %cond3A_124 = arith.cmpi ne, %convert_element_type3A_122, %cond3A_123 : i32
      scf.if %cond3A_124 {
        %div3A_125 = arith.constant 10 : i32
        %div3A_126 = arith.divsi %add3A_119, %div3A_125 : i32
        %rem3A_127 = arith.constant 2 : i32
        %rem3A_128 = arith.remsi %div3A_126, %rem3A_127 : i32
        %rem3A_129 = arith.constant 10 : i32
        %rem3A_130 = arith.remsi %add3A_119, %rem3A_129 : i32
        %mul3A_131 = arith.constant 2 : i32
        %mul3A_132 = arith.muli %mul3A_131, %rem3A_130 : i32
        %dma_start3A_133 = arith.constant 0 : i32
        %dma_start3A_134 = tpu.memref_slice %arg7[%multiple_of3A_92, %dma_start3A_133] : memref<320x128xf32, #tpu.memory_space<vmem>> -> memref<80x128xf32, #tpu.memory_space<vmem>>
        %dma_start3A_135 = arith.constant 0 : i32
        %dma_start3A_136 = tpu.memref_slice %arg6[%rem3A_128, %mul3A_132, %dma_start3A_135] : memref<2x20x80xi32, #tpu.memory_space<vmem>> -> memref<1x1x80xi32, #tpu.memory_space<vmem>>
        %dma_start3A_137 = tpu.memref_squeeze %dma_start3A_136 : memref<1x1x80xi32, #tpu.memory_space<vmem>> -> memref<80xi32, #tpu.memory_space<vmem>>
        %dma_start3A_138 = arith.constant 0 : i32
        %dma_start3A_139 = arith.constant 0 : i32
        %dma_start3A_140 = tpu.memref_slice %arg2[%dma_start3A_138, %dma_start3A_139] : memref<20000x128xf32, #tpu.memory_space<hbm>> -> memref<20000x128xf32, #tpu.memory_space<hbm>>
        %dma_start3A_141 = tpu.memref_slice %arg9[%rem3A_79] : memref<4x!tpu.dma_semaphore, #tpu.memory_space<semaphore_mem>> -> memref<1x!tpu.dma_semaphore, #tpu.memory_space<semaphore_mem>>
        %dma_start3A_142 = tpu.memref_squeeze %dma_start3A_141 : memref<1x!tpu.dma_semaphore, #tpu.memory_space<semaphore_mem>> -> memref<!tpu.dma_semaphore, #tpu.memory_space<semaphore_mem>>
        tpu.enqueue_indirect_dma source(%dma_start3A_140 : memref<20000x128xf32, #tpu.memory_space<hbm>>) target(%dma_start3A_134 : memref<80x128xf32, #tpu.memory_space<vmem>>) offsets(%dma_start3A_137 : memref<80xi32, #tpu.memory_space<vmem>>) semaphore(%dma_start3A_142 : memref<!tpu.dma_semaphore, #tpu.memory_space<semaphore_mem>>)
      } else {
      }
    }
    %scan3A_64 = arith.constant 250 : i32
    %barrier3A_65 = arith.constant 0 : index
    tpu.barrier barrier_id(%barrier3A_65)
    %add3A_66 = arith.constant 0 : i32
    %add3A_67 = arith.addi %multiple_of3A, %add3A_66 : i32
    %multiple_of3A_68 = tpu.assume_multiple %add3A_67, 8 : i32
    "tpu.region"() ({
      %run_scoped3A_78 = tpu.sem_alloc : memref<!tpu.dma_semaphore, #tpu.memory_space<semaphore_mem>>
      %dma_start3A_79 = arith.constant 0 : i32
      %dma_start3A_80 = tpu.memref_slice %arg8[%multiple_of3A_68, %dma_start3A_79] : memref<10000x128xf32, #tpu.memory_space<vmem_shared>> -> memref<320x128xf32, #tpu.memory_space<vmem_shared>>
      %dma_start3A_81 = arith.constant 0 : i32
      %dma_start3A_82 = tpu.memref_slice %arg8[%multiple_of3A_68, %dma_start3A_81] : memref<10000x128xf32, #tpu.memory_space<vmem_shared>> -> memref<320x128xf32, #tpu.memory_space<vmem_shared>>
      tpu.enqueue_dma source(%dma_start3A_82 : memref<320x128xf32, #tpu.memory_space<vmem_shared>>) target(%arg7 : memref<320x128xf32, #tpu.memory_space<vmem>>) target_semaphore(%run_scoped3A_78 : memref<!tpu.dma_semaphore, #tpu.memory_space<semaphore_mem>>)
      %dma_wait3A = arith.constant 0 : i32
      %dma_wait3A_83 = tpu.memref_slice %arg8[%multiple_of3A_68, %dma_wait3A] : memref<10000x128xf32, #tpu.memory_space<vmem_shared>> -> memref<320x128xf32, #tpu.memory_space<vmem_shared>>
      %dma_wait3A_84 = arith.constant 0 : i32
      %dma_wait3A_85 = tpu.memref_slice %arg8[%multiple_of3A_68, %dma_wait3A_84] : memref<10000x128xf32, #tpu.memory_space<vmem_shared>> -> memref<320x128xf32, #tpu.memory_space<vmem_shared>>
      tpu.wait_dma2 semaphore(%run_scoped3A_78 : memref<!tpu.dma_semaphore, #tpu.memory_space<semaphore_mem>>) src(%dma_wait3A_85 : memref<320x128xf32, #tpu.memory_space<vmem_shared>>) dst(%arg7 : memref<320x128xf32, #tpu.memory_space<vmem>>)
      tpu.yield
    }) : () -> ()
    %mul3A_69 = arith.constant 10000 : i32
    %mul3A_70 = arith.muli %arg0, %mul3A_69 : i32
    %add3A_71 = arith.addi %mul3A_70, %multiple_of3A_68 : i32
    "tpu.region"() ({
      %run_scoped3A_78 = tpu.sem_alloc : memref<!tpu.dma_semaphore, #tpu.memory_space<semaphore_mem>>
      %dma_start3A_79 = arith.constant 0 : i32
      %dma_start3A_80 = tpu.memref_slice %arg5[%add3A_71, %dma_start3A_79] : memref<20000x128xf32, #tpu.memory_space<hbm>> -> memref<320x128xf32, #tpu.memory_space<hbm>>
      %dma_start3A_81 = arith.constant 0 : i32
      %dma_start3A_82 = tpu.memref_slice %arg5[%add3A_71, %dma_start3A_81] : memref<20000x128xf32, #tpu.memory_space<hbm>> -> memref<320x128xf32, #tpu.memory_space<hbm>>
      tpu.enqueue_dma source(%arg7 : memref<320x128xf32, #tpu.memory_space<vmem>>) target(%dma_start3A_82 : memref<320x128xf32, #tpu.memory_space<hbm>>) target_semaphore(%run_scoped3A_78 : memref<!tpu.dma_semaphore, #tpu.memory_space<semaphore_mem>>)
      %dma_wait3A = arith.constant 0 : i32
      %dma_wait3A_83 = tpu.memref_slice %arg5[%add3A_71, %dma_wait3A] : memref<20000x128xf32, #tpu.memory_space<hbm>> -> memref<320x128xf32, #tpu.memory_space<hbm>>
      %dma_wait3A_84 = arith.constant 0 : i32
      %dma_wait3A_85 = tpu.memref_slice %arg5[%add3A_71, %dma_wait3A_84] : memref<20000x128xf32, #tpu.memory_space<hbm>> -> memref<320x128xf32, #tpu.memory_space<hbm>>
      tpu.wait_dma2 semaphore(%run_scoped3A_78 : memref<!tpu.dma_semaphore, #tpu.memory_space<semaphore_mem>>) src(%arg7 : memref<320x128xf32, #tpu.memory_space<vmem>>) dst(%dma_wait3A_85 : memref<320x128xf32, #tpu.memory_space<hbm>>)
      tpu.yield
    }) : () -> ()
    %add3A_72 = arith.constant 320 : i32
    %add3A_73 = arith.addi %multiple_of3A, %add3A_72 : i32
    %multiple_of3A_74 = tpu.assume_multiple %add3A_73, 8 : i32
    "tpu.region"() ({
      %run_scoped3A_78 = tpu.sem_alloc : memref<!tpu.dma_semaphore, #tpu.memory_space<semaphore_mem>>
      %dma_start3A_79 = arith.constant 0 : i32
      %dma_start3A_80 = tpu.memref_slice %arg8[%multiple_of3A_74, %dma_start3A_79] : memref<10000x128xf32, #tpu.memory_space<vmem_shared>> -> memref<320x128xf32, #tpu.memory_space<vmem_shared>>
      %dma_start3A_81 = arith.constant 0 : i32
      %dma_start3A_82 = tpu.memref_slice %arg8[%multiple_of3A_74, %dma_start3A_81] : memref<10000x128xf32, #tpu.memory_space<vmem_shared>> -> memref<320x128xf32, #tpu.memory_space<vmem_shared>>
      tpu.enqueue_dma source(%dma_start3A_82 : memref<320x128xf32, #tpu.memory_space<vmem_shared>>) target(%arg7 : memref<320x128xf32, #tpu.memory_space<vmem>>) target_semaphore(%run_scoped3A_78 : memref<!tpu.dma_semaphore, #tpu.memory_space<semaphore_mem>>)
      %dma_wait3A = arith.constant 0 : i32
      %dma_wait3A_83 = tpu.memref_slice %arg8[%multiple_of3A_74, %dma_wait3A] : memref<10000x128xf32, #tpu.memory_space<vmem_shared>> -> memref<320x128xf32, #tpu.memory_space<vmem_shared>>
      %dma_wait3A_84 = arith.constant 0 : i32
      %dma_wait3A_85 = tpu.memref_slice %arg8[%multiple_of3A_74, %dma_wait3A_84] : memref<10000x128xf32, #tpu.memory_space<vmem_shared>> -> memref<320x128xf32, #tpu.memory_space<vmem_shared>>
      tpu.wait_dma2 semaphore(%run_scoped3A_78 : memref<!tpu.dma_semaphore, #tpu.memory_space<semaphore_mem>>) src(%dma_wait3A_85 : memref<320x128xf32, #tpu.memory_space<vmem_shared>>) dst(%arg7 : memref<320x128xf32, #tpu.memory_space<vmem>>)
      tpu.yield
    }) : () -> ()
    %mul3A_75 = arith.constant 10000 : i32
    %mul3A_76 = arith.muli %arg0, %mul3A_75 : i32
    %add3A_77 = arith.addi %mul3A_76, %multiple_of3A_74 : i32
    "tpu.region"() ({
      %run_scoped3A_78 = tpu.sem_alloc : memref<!tpu.dma_semaphore, #tpu.memory_space<semaphore_mem>>
      %dma_start3A_79 = arith.constant 0 : i32
      %dma_start3A_80 = tpu.memref_slice %arg5[%add3A_77, %dma_start3A_79] : memref<20000x128xf32, #tpu.memory_space<hbm>> -> memref<320x128xf32, #tpu.memory_space<hbm>>
      %dma_start3A_81 = arith.constant 0 : i32
      %dma_start3A_82 = tpu.memref_slice %arg5[%add3A_77, %dma_start3A_81] : memref<20000x128xf32, #tpu.memory_space<hbm>> -> memref<320x128xf32, #tpu.memory_space<hbm>>
      tpu.enqueue_dma source(%arg7 : memref<320x128xf32, #tpu.memory_space<vmem>>) target(%dma_start3A_82 : memref<320x128xf32, #tpu.memory_space<hbm>>) target_semaphore(%run_scoped3A_78 : memref<!tpu.dma_semaphore, #tpu.memory_space<semaphore_mem>>)
      %dma_wait3A = arith.constant 0 : i32
      %dma_wait3A_83 = tpu.memref_slice %arg5[%add3A_77, %dma_wait3A] : memref<20000x128xf32, #tpu.memory_space<hbm>> -> memref<320x128xf32, #tpu.memory_space<hbm>>
      %dma_wait3A_84 = arith.constant 0 : i32
      %dma_wait3A_85 = tpu.memref_slice %arg5[%add3A_77, %dma_wait3A_84] : memref<20000x128xf32, #tpu.memory_space<hbm>> -> memref<320x128xf32, #tpu.memory_space<hbm>>
      tpu.wait_dma2 semaphore(%run_scoped3A_78 : memref<!tpu.dma_semaphore, #tpu.memory_space<semaphore_mem>>) src(%arg7 : memref<320x128xf32, #tpu.memory_space<vmem>>) dst(%dma_wait3A_85 : memref<320x128xf32, #tpu.memory_space<hbm>>)
      tpu.yield
    }) : () -> ()
    return
  }
}

#map = affine_map<(d0, d1) -> (0, 0)>
#map1 = affine_map<(d0, d1) -> (0, 0, 0, 0, 0)>
module attributes {stable_mosaic.version = 14 : i64} {
  func.func @_sc_body(%arg0: i32, %arg1: i32, %arg2: memref<20000x128xf32, #tpu.memory_space<hbm>>, %arg3: memref<20000x128xf32, #tpu.memory_space<hbm>>, %arg4: memref<2x16x25x20x80xi32, #tpu.memory_space<hbm>>, %arg5: memref<20000x128xf32, #tpu.memory_space<hbm>>, %arg6: memref<2x20x80xi32, #tpu.memory_space<vmem>>, %arg7: memref<320x128xf32, #tpu.memory_space<vmem>>, %arg8: memref<10000x128xf32, #tpu.memory_space<vmem_shared>>, %arg9: memref<4x!tpu.dma_semaphore, #tpu.memory_space<semaphore_mem>>, %arg10: memref<2x!tpu.dma_semaphore, #tpu.memory_space<semaphore_mem>>) attributes {dimension_semantics = [#tpu.dimension_semantics<core_parallel>, #tpu.dimension_semantics<subcore_parallel>], iteration_bounds = array<i64: 2, 16>, scalar_prefetch = 0 : i64, scratch_operands = 5 : i64, tpu.core_type = #tpu.core_type<sc_vector_subcore>, window_params = [{transform_indices = #map}, {transform_indices = #map}, {transform_indices = #map1}, {transform_indices = #map}]} {
    %mul3A = arith.constant 640 : i32
    %mul3A_0 = arith.muli %arg1, %mul3A : i32
    %min3A = arith.constant 9360 : i32
    %min3A_1 = arith.minsi %mul3A_0, %min3A : i32
    %multiple_of3A = tpu.assume_multiple %min3A_1, 8 : i32
    %mul3A_2 = arith.constant 10000 : i32
    %mul3A_3 = arith.muli %arg0, %mul3A_2 : i32
    %add3A = arith.addi %mul3A_3, %multiple_of3A : i32
    "tpu.region"() ({
      %run_scoped3A_78 = tpu.sem_alloc : memref<!tpu.dma_semaphore, #tpu.memory_space<semaphore_mem>>
      %dma_start3A_79 = arith.constant 0 : i32
      %dma_start3A_80 = tpu.memref_slice %arg8[%multiple_of3A, %dma_start3A_79] : memref<10000x128xf32, #tpu.memory_space<vmem_shared>> -> memref<640x128xf32, #tpu.memory_space<vmem_shared>>
      %dma_start3A_81 = arith.constant 0 : i32
      %dma_start3A_82 = tpu.memref_slice %arg3[%add3A, %dma_start3A_81] : memref<20000x128xf32, #tpu.memory_space<hbm>> -> memref<640x128xf32, #tpu.memory_space<hbm>>
      tpu.enqueue_dma source(%dma_start3A_82 : memref<640x128xf32, #tpu.memory_space<hbm>>) target(%dma_start3A_80 : memref<640x128xf32, #tpu.memory_space<vmem_shared>>) target_semaphore(%run_scoped3A_78 : memref<!tpu.dma_semaphore, #tpu.memory_space<semaphore_mem>>)
      %dma_wait3A = arith.constant 0 : i32
      %dma_wait3A_83 = tpu.memref_slice %arg8[%multiple_of3A, %dma_wait3A] : memref<10000x128xf32, #tpu.memory_space<vmem_shared>> -> memref<640x128xf32, #tpu.memory_space<vmem_shared>>
      %dma_wait3A_84 = arith.constant 0 : i32
      %dma_wait3A_85 = tpu.memref_slice %arg3[%add3A, %dma_wait3A_84] : memref<20000x128xf32, #tpu.memory_space<hbm>> -> memref<640x128xf32, #tpu.memory_space<hbm>>
      tpu.wait_dma2 semaphore(%run_scoped3A_78 : memref<!tpu.dma_semaphore, #tpu.memory_space<semaphore_mem>>) src(%dma_wait3A_85 : memref<640x128xf32, #tpu.memory_space<hbm>>) dst(%dma_wait3A_83 : memref<640x128xf32, #tpu.memory_space<vmem_shared>>)
      tpu.yield
    }) : () -> ()
    %run_scoped3A = arith.constant 0 : i32
    %run_scoped3A_4 = arith.constant 0 : i32
    "tpu.region"() ({
      %run_scoped3A_78 = tpu.sem_alloc : memref<!tpu.dma_semaphore, #tpu.memory_space<semaphore_mem>>
      %dma_start3A_79 = arith.constant 0 : i32
      %dma_start3A_80 = arith.constant 0 : i32
      %dma_start3A_81 = tpu.memref_slice %arg6[%run_scoped3A_4, %dma_start3A_79, %dma_start3A_80] : memref<2x20x80xi32, #tpu.memory_space<vmem>> -> memref<1x20x80xi32, #tpu.memory_space<vmem>>
      %dma_start3A_82 = tpu.memref_squeeze %dma_start3A_81 : memref<1x20x80xi32, #tpu.memory_space<vmem>> -> memref<20x80xi32, #tpu.memory_space<vmem>>
      %dma_start3A_83 = arith.constant 0 : i32
      %dma_start3A_84 = arith.constant 0 : i32
      %dma_start3A_85 = tpu.memref_slice %arg4[%arg0, %arg1, %run_scoped3A, %dma_start3A_83, %dma_start3A_84] : memref<2x16x25x20x80xi32, #tpu.memory_space<hbm>> -> memref<1x1x1x20x80xi32, #tpu.memory_space<hbm>>
      %dma_start3A_86 = tpu.memref_squeeze %dma_start3A_85 : memref<1x1x1x20x80xi32, #tpu.memory_space<hbm>> -> memref<20x80xi32, #tpu.memory_space<hbm>>
      %dma_start3A_87 = arith.constant 0 : i32
      %dma_start3A_88 = arith.constant 0 : i32
      %dma_start3A_89 = tpu.memref_slice %arg6[%run_scoped3A_4, %dma_start3A_87, %dma_start3A_88] : memref<2x20x80xi32, #tpu.memory_space<vmem>> -> memref<1x20x80xi32, #tpu.memory_space<vmem>>
      %dma_start3A_90 = tpu.memref_squeeze %dma_start3A_89 : memref<1x20x80xi32, #tpu.memory_space<vmem>> -> memref<20x80xi32, #tpu.memory_space<vmem>>
      %dma_start3A_91 = arith.constant 0 : i32
      %dma_start3A_92 = arith.constant 0 : i32
      %dma_start3A_93 = tpu.memref_slice %arg4[%arg0, %arg1, %run_scoped3A, %dma_start3A_91, %dma_start3A_92] : memref<2x16x25x20x80xi32, #tpu.memory_space<hbm>> -> memref<1x1x1x20x80xi32, #tpu.memory_space<hbm>>
      %dma_start3A_94 = tpu.memref_squeeze %dma_start3A_93 : memref<1x1x1x20x80xi32, #tpu.memory_space<hbm>> -> memref<20x80xi32, #tpu.memory_space<hbm>>
      tpu.enqueue_dma source(%dma_start3A_94 : memref<20x80xi32, #tpu.memory_space<hbm>>) target(%dma_start3A_90 : memref<20x80xi32, #tpu.memory_space<vmem>>) target_semaphore(%run_scoped3A_78 : memref<!tpu.dma_semaphore, #tpu.memory_space<semaphore_mem>>)
      %dma_wait3A = arith.constant 0 : i32
      %dma_wait3A_95 = arith.constant 0 : i32
      %dma_wait3A_96 = tpu.memref_slice %arg6[%run_scoped3A_4, %dma_wait3A, %dma_wait3A_95] : memref<2x20x80xi32, #tpu.memory_space<vmem>> -> memref<1x20x80xi32, #tpu.memory_space<vmem>>
      %dma_wait3A_97 = tpu.memref_squeeze %dma_wait3A_96 : memref<1x20x80xi32, #tpu.memory_space<vmem>> -> memref<20x80xi32, #tpu.memory_space<vmem>>
      %dma_wait3A_98 = arith.constant 0 : i32
      %dma_wait3A_99 = arith.constant 0 : i32
      %dma_wait3A_100 = tpu.memref_slice %arg4[%arg0, %arg1, %run_scoped3A, %dma_wait3A_98, %dma_wait3A_99] : memref<2x16x25x20x80xi32, #tpu.memory_space<hbm>> -> memref<1x1x1x20x80xi32, #tpu.memory_space<hbm>>
      %dma_wait3A_101 = tpu.memref_squeeze %dma_wait3A_100 : memref<1x1x1x20x80xi32, #tpu.memory_space<hbm>> -> memref<20x80xi32, #tpu.memory_space<hbm>>
      %dma_wait3A_102 = arith.constant 0 : i32
      %dma_wait3A_103 = arith.constant 0 : i32
      %dma_wait3A_104 = tpu.memref_slice %arg6[%run_scoped3A_4, %dma_wait3A_102, %dma_wait3A_103] : memref<2x20x80xi32, #tpu.memory_space<vmem>> -> memref<1x20x80xi32, #tpu.memory_space<vmem>>
      %dma_wait3A_105 = tpu.memref_squeeze %dma_wait3A_104 : memref<1x20x80xi32, #tpu.memory_space<vmem>> -> memref<20x80xi32, #tpu.memory_space<vmem>>
      %dma_wait3A_106 = arith.constant 0 : i32
      %dma_wait3A_107 = arith.constant 0 : i32
      %dma_wait3A_108 = tpu.memref_slice %arg4[%arg0, %arg1, %run_scoped3A, %dma_wait3A_106, %dma_wait3A_107] : memref<2x16x25x20x80xi32, #tpu.memory_space<hbm>> -> memref<1x1x1x20x80xi32, #tpu.memory_space<hbm>>
      %dma_wait3A_109 = tpu.memref_squeeze %dma_wait3A_108 : memref<1x1x1x20x80xi32, #tpu.memory_space<hbm>> -> memref<20x80xi32, #tpu.memory_space<hbm>>
      tpu.wait_dma2 semaphore(%run_scoped3A_78 : memref<!tpu.dma_semaphore, #tpu.memory_space<semaphore_mem>>) src(%dma_wait3A_109 : memref<20x80xi32, #tpu.memory_space<hbm>>) dst(%dma_wait3A_105 : memref<20x80xi32, #tpu.memory_space<vmem>>)
      tpu.yield
    }) : () -> ()
    %barrier3A = arith.constant 0 : index
    tpu.barrier barrier_id(%barrier3A)
    %dma_start3A = arith.constant 0 : i32
    %dma_start3A_5 = arith.constant 0 : i32
    %dma_start3A_6 = arith.constant 0 : i32
    %dma_start3A_7 = arith.constant 0 : i32
    %dma_start3A_8 = arith.constant 0 : i32
    %dma_start3A_9 = tpu.memref_slice %arg7[%dma_start3A_7, %dma_start3A_8] : memref<320x128xf32, #tpu.memory_space<vmem>> -> memref<80x128xf32, #tpu.memory_space<vmem>>
    %dma_start3A_10 = arith.constant 0 : i32
    %dma_start3A_11 = tpu.memref_slice %arg6[%dma_start3A, %dma_start3A_5, %dma_start3A_10] : memref<2x20x80xi32, #tpu.memory_space<vmem>> -> memref<1x1x80xi32, #tpu.memory_space<vmem>>
    %dma_start3A_12 = tpu.memref_squeeze %dma_start3A_11 : memref<1x1x80xi32, #tpu.memory_space<vmem>> -> memref<80xi32, #tpu.memory_space<vmem>>
    %dma_start3A_13 = arith.constant 0 : i32
    %dma_start3A_14 = arith.constant 0 : i32
    %dma_start3A_15 = tpu.memref_slice %arg2[%dma_start3A_13, %dma_start3A_14] : memref<20000x128xf32, #tpu.memory_space<hbm>> -> memref<20000x128xf32, #tpu.memory_space<hbm>>
    %dma_start3A_16 = tpu.memref_slice %arg9[%dma_start3A_6] : memref<4x!tpu.dma_semaphore, #tpu.memory_space<semaphore_mem>> -> memref<1x!tpu.dma_semaphore, #tpu.memory_space<semaphore_mem>>
    %dma_start3A_17 = tpu.memref_squeeze %dma_start3A_16 : memref<1x!tpu.dma_semaphore, #tpu.memory_space<semaphore_mem>> -> memref<!tpu.dma_semaphore, #tpu.memory_space<semaphore_mem>>
    tpu.enqueue_indirect_dma source(%dma_start3A_15 : memref<20000x128xf32, #tpu.memory_space<hbm>>) target(%dma_start3A_9 : memref<80x128xf32, #tpu.memory_space<vmem>>) offsets(%dma_start3A_12 : memref<80xi32, #tpu.memory_space<vmem>>) semaphore(%dma_start3A_17 : memref<!tpu.dma_semaphore, #tpu.memory_space<semaphore_mem>>)
    %dma_start3A_18 = arith.constant 0 : i32
    %dma_start3A_19 = arith.constant 2 : i32
    %dma_start3A_20 = arith.constant 1 : i32
    %dma_start3A_21 = arith.constant 80 : i32
    %dma_start3A_22 = arith.constant 0 : i32
    %dma_start3A_23 = tpu.memref_slice %arg7[%dma_start3A_21, %dma_start3A_22] : memref<320x128xf32, #tpu.memory_space<vmem>> -> memref<80x128xf32, #tpu.memory_space<vmem>>
    %dma_start3A_24 = arith.constant 0 : i32
    %dma_start3A_25 = tpu.memref_slice %arg6[%dma_start3A_18, %dma_start3A_19, %dma_start3A_24] : memref<2x20x80xi32, #tpu.memory_space<vmem>> -> memref<1x1x80xi32, #tpu.memory_space<vmem>>
    %dma_start3A_26 = tpu.memref_squeeze %dma_start3A_25 : memref<1x1x80xi32, #tpu.memory_space<vmem>> -> memref<80xi32, #tpu.memory_space<vmem>>
    %dma_start3A_27 = arith.constant 0 : i32
    %dma_start3A_28 = arith.constant 0 : i32
    %dma_start3A_29 = tpu.memref_slice %arg2[%dma_start3A_27, %dma_start3A_28] : memref<20000x128xf32, #tpu.memory_space<hbm>> -> memref<20000x128xf32, #tpu.memory_space<hbm>>
    %dma_start3A_30 = tpu.memref_slice %arg9[%dma_start3A_20] : memref<4x!tpu.dma_semaphore, #tpu.memory_space<semaphore_mem>> -> memref<1x!tpu.dma_semaphore, #tpu.memory_space<semaphore_mem>>
    %dma_start3A_31 = tpu.memref_squeeze %dma_start3A_30 : memref<1x!tpu.dma_semaphore, #tpu.memory_space<semaphore_mem>> -> memref<!tpu.dma_semaphore, #tpu.memory_space<semaphore_mem>>
    tpu.enqueue_indirect_dma source(%dma_start3A_29 : memref<20000x128xf32, #tpu.memory_space<hbm>>) target(%dma_start3A_23 : memref<80x128xf32, #tpu.memory_space<vmem>>) offsets(%dma_start3A_26 : memref<80xi32, #tpu.memory_space<vmem>>) semaphore(%dma_start3A_31 : memref<!tpu.dma_semaphore, #tpu.memory_space<semaphore_mem>>)
    %dma_start3A_32 = arith.constant 0 : i32
    %dma_start3A_33 = arith.constant 4 : i32
    %dma_start3A_34 = arith.constant 2 : i32
    %dma_start3A_35 = arith.constant 160 : i32
    %dma_start3A_36 = arith.constant 0 : i32
    %dma_start3A_37 = tpu.memref_slice %arg7[%dma_start3A_35, %dma_start3A_36] : memref<320x128xf32, #tpu.memory_space<vmem>> -> memref<80x128xf32, #tpu.memory_space<vmem>>
    %dma_start3A_38 = arith.constant 0 : i32
    %dma_start3A_39 = tpu.memref_slice %arg6[%dma_start3A_32, %dma_start3A_33, %dma_start3A_38] : memref<2x20x80xi32, #tpu.memory_space<vmem>> -> memref<1x1x80xi32, #tpu.memory_space<vmem>>
    %dma_start3A_40 = tpu.memref_squeeze %dma_start3A_39 : memref<1x1x80xi32, #tpu.memory_space<vmem>> -> memref<80xi32, #tpu.memory_space<vmem>>
    %dma_start3A_41 = arith.constant 0 : i32
    %dma_start3A_42 = arith.constant 0 : i32
    %dma_start3A_43 = tpu.memref_slice %arg2[%dma_start3A_41, %dma_start3A_42] : memref<20000x128xf32, #tpu.memory_space<hbm>> -> memref<20000x128xf32, #tpu.memory_space<hbm>>
    %dma_start3A_44 = tpu.memref_slice %arg9[%dma_start3A_34] : memref<4x!tpu.dma_semaphore, #tpu.memory_space<semaphore_mem>> -> memref<1x!tpu.dma_semaphore, #tpu.memory_space<semaphore_mem>>
    %dma_start3A_45 = tpu.memref_squeeze %dma_start3A_44 : memref<1x!tpu.dma_semaphore, #tpu.memory_space<semaphore_mem>> -> memref<!tpu.dma_semaphore, #tpu.memory_space<semaphore_mem>>
    tpu.enqueue_indirect_dma source(%dma_start3A_43 : memref<20000x128xf32, #tpu.memory_space<hbm>>) target(%dma_start3A_37 : memref<80x128xf32, #tpu.memory_space<vmem>>) offsets(%dma_start3A_40 : memref<80xi32, #tpu.memory_space<vmem>>) semaphore(%dma_start3A_45 : memref<!tpu.dma_semaphore, #tpu.memory_space<semaphore_mem>>)
    %dma_start3A_46 = arith.constant 0 : i32
    %dma_start3A_47 = arith.constant 6 : i32
    %dma_start3A_48 = arith.constant 3 : i32
    %dma_start3A_49 = arith.constant 240 : i32
    %dma_start3A_50 = arith.constant 0 : i32
    %dma_start3A_51 = tpu.memref_slice %arg7[%dma_start3A_49, %dma_start3A_50] : memref<320x128xf32, #tpu.memory_space<vmem>> -> memref<80x128xf32, #tpu.memory_space<vmem>>
    %dma_start3A_52 = arith.constant 0 : i32
    %dma_start3A_53 = tpu.memref_slice %arg6[%dma_start3A_46, %dma_start3A_47, %dma_start3A_52] : memref<2x20x80xi32, #tpu.memory_space<vmem>> -> memref<1x1x80xi32, #tpu.memory_space<vmem>>
    %dma_start3A_54 = tpu.memref_squeeze %dma_start3A_53 : memref<1x1x80xi32, #tpu.memory_space<vmem>> -> memref<80xi32, #tpu.memory_space<vmem>>
    %dma_start3A_55 = arith.constant 0 : i32
    %dma_start3A_56 = arith.constant 0 : i32
    %dma_start3A_57 = tpu.memref_slice %arg2[%dma_start3A_55, %dma_start3A_56] : memref<20000x128xf32, #tpu.memory_space<hbm>> -> memref<20000x128xf32, #tpu.memory_space<hbm>>
    %dma_start3A_58 = tpu.memref_slice %arg9[%dma_start3A_48] : memref<4x!tpu.dma_semaphore, #tpu.memory_space<semaphore_mem>> -> memref<1x!tpu.dma_semaphore, #tpu.memory_space<semaphore_mem>>
    %dma_start3A_59 = tpu.memref_squeeze %dma_start3A_58 : memref<1x!tpu.dma_semaphore, #tpu.memory_space<semaphore_mem>> -> memref<!tpu.dma_semaphore, #tpu.memory_space<semaphore_mem>>
    tpu.enqueue_indirect_dma source(%dma_start3A_57 : memref<20000x128xf32, #tpu.memory_space<hbm>>) target(%dma_start3A_51 : memref<80x128xf32, #tpu.memory_space<vmem>>) offsets(%dma_start3A_54 : memref<80xi32, #tpu.memory_space<vmem>>) semaphore(%dma_start3A_59 : memref<!tpu.dma_semaphore, #tpu.memory_space<semaphore_mem>>)
    %scan3A = arith.constant 0 : i32
    %scan3A_60 = arith.constant 0 : i32
    %scan3A_61 = arith.constant 250 : i32
    %scan3A_62 = arith.addi %scan3A_60, %scan3A_61 : i32
    %scan3A_63 = arith.constant 1 : i32
    scf.for %scan3A_78 = %scan3A_60 to %scan3A_62 step %scan3A_63  : i32 {
      %rem3A = arith.constant 4 : i32
      %rem3A_79 = arith.remsi %scan3A_78, %rem3A : i32
      %div3A = arith.constant 10 : i32
      %div3A_80 = arith.divsi %scan3A_78, %div3A : i32
      %rem3A_81 = arith.constant 10 : i32
      %rem3A_82 = arith.remsi %scan3A_78, %rem3A_81 : i32
      %rem3A_83 = arith.constant 2 : i32
      %rem3A_84 = arith.remsi %div3A_80, %rem3A_83 : i32
      %eq3A = arith.constant 0 : i32
      %eq3A_85 = arith.cmpi eq, %rem3A_82, %eq3A : i32
      %add3A_86 = arith.constant 1 : i32
      %add3A_87 = arith.addi %div3A_80, %add3A_86 : i32
      %lt3A = arith.constant 25 : i32
      %lt3A_88 = arith.cmpi slt, %add3A_87, %lt3A : i32
      %and3A = arith.andi %eq3A_85, %lt3A_88 : i1
      %convert_element_type3A = arith.extui %and3A : i1 to i32
      %cond3A = arith.constant 0 : i32
      %cond3A_89 = arith.cmpi ne, %convert_element_type3A, %cond3A : i32
      scf.if %cond3A_89 {
        %add3A_125 = arith.constant 1 : i32
        %add3A_126 = arith.addi %div3A_80, %add3A_125 : i32
        %sub3A = arith.constant 1 : i32
        %sub3A_127 = arith.subi %sub3A, %rem3A_84 : i32
        %sub3A_128 = arith.constant 1 : i32
        %sub3A_129 = arith.subi %sub3A_128, %rem3A_84 : i32
        %dma_start3A_130 = arith.constant 0 : i32
        %dma_start3A_131 = arith.constant 0 : i32
        %dma_start3A_132 = tpu.memref_slice %arg6[%sub3A_127, %dma_start3A_130, %dma_start3A_131] : memref<2x20x80xi32, #tpu.memory_space<vmem>> -> memref<1x20x80xi32, #tpu.memory_space<vmem>>
        %dma_start3A_133 = tpu.memref_squeeze %dma_start3A_132 : memref<1x20x80xi32, #tpu.memory_space<vmem>> -> memref<20x80xi32, #tpu.memory_space<vmem>>
        %dma_start3A_134 = arith.constant 0 : i32
        %dma_start3A_135 = arith.constant 0 : i32
        %dma_start3A_136 = tpu.memref_slice %arg4[%arg0, %arg1, %add3A_126, %dma_start3A_134, %dma_start3A_135] : memref<2x16x25x20x80xi32, #tpu.memory_space<hbm>> -> memref<1x1x1x20x80xi32, #tpu.memory_space<hbm>>
        %dma_start3A_137 = tpu.memref_squeeze %dma_start3A_136 : memref<1x1x1x20x80xi32, #tpu.memory_space<hbm>> -> memref<20x80xi32, #tpu.memory_space<hbm>>
        %dma_start3A_138 = tpu.memref_slice %arg10[%sub3A_129] : memref<2x!tpu.dma_semaphore, #tpu.memory_space<semaphore_mem>> -> memref<1x!tpu.dma_semaphore, #tpu.memory_space<semaphore_mem>>
        %dma_start3A_139 = tpu.memref_squeeze %dma_start3A_138 : memref<1x!tpu.dma_semaphore, #tpu.memory_space<semaphore_mem>> -> memref<!tpu.dma_semaphore, #tpu.memory_space<semaphore_mem>>
        %dma_start3A_140 = arith.constant 0 : i32
        %dma_start3A_141 = arith.constant 0 : i32
        %dma_start3A_142 = tpu.memref_slice %arg6[%sub3A_127, %dma_start3A_140, %dma_start3A_141] : memref<2x20x80xi32, #tpu.memory_space<vmem>> -> memref<1x20x80xi32, #tpu.memory_space<vmem>>
        %dma_start3A_143 = tpu.memref_squeeze %dma_start3A_142 : memref<1x20x80xi32, #tpu.memory_space<vmem>> -> memref<20x80xi32, #tpu.memory_space<vmem>>
        %dma_start3A_144 = arith.constant 0 : i32
        %dma_start3A_145 = arith.constant 0 : i32
        %dma_start3A_146 = tpu.memref_slice %arg4[%arg0, %arg1, %add3A_126, %dma_start3A_144, %dma_start3A_145] : memref<2x16x25x20x80xi32, #tpu.memory_space<hbm>> -> memref<1x1x1x20x80xi32, #tpu.memory_space<hbm>>
        %dma_start3A_147 = tpu.memref_squeeze %dma_start3A_146 : memref<1x1x1x20x80xi32, #tpu.memory_space<hbm>> -> memref<20x80xi32, #tpu.memory_space<hbm>>
        tpu.enqueue_dma source(%dma_start3A_147 : memref<20x80xi32, #tpu.memory_space<hbm>>) target(%dma_start3A_143 : memref<20x80xi32, #tpu.memory_space<vmem>>) target_semaphore(%dma_start3A_139 : memref<!tpu.dma_semaphore, #tpu.memory_space<semaphore_mem>>)
      } else {
      }
      %mul3A_90 = arith.constant 80 : i32
      %mul3A_91 = arith.muli %rem3A_79, %mul3A_90 : i32
      %multiple_of3A_92 = tpu.assume_multiple %mul3A_91, 8 : i32
      %dma_wait3A = arith.constant 0 : i32
      %dma_wait3A_93 = arith.constant 0 : i32
      %dma_wait3A_94 = arith.constant 0 : i32
      %dma_wait3A_95 = tpu.memref_slice %arg7[%multiple_of3A_92, %dma_wait3A_94] : memref<320x128xf32, #tpu.memory_space<vmem>> -> memref<80x128xf32, #tpu.memory_space<vmem>>
      %dma_wait3A_96 = arith.constant 0 : i32
      %dma_wait3A_97 = tpu.memref_slice %arg6[%dma_wait3A, %dma_wait3A_93, %dma_wait3A_96] : memref<2x20x80xi32, #tpu.memory_space<vmem>> -> memref<1x1x80xi32, #tpu.memory_space<vmem>>
      %dma_wait3A_98 = tpu.memref_squeeze %dma_wait3A_97 : memref<1x1x80xi32, #tpu.memory_space<vmem>> -> memref<80xi32, #tpu.memory_space<vmem>>
      %dma_wait3A_99 = arith.constant 0 : i32
      %dma_wait3A_100 = arith.constant 0 : i32
      %dma_wait3A_101 = tpu.memref_slice %arg2[%dma_wait3A_99, %dma_wait3A_100] : memref<20000x128xf32, #tpu.memory_space<hbm>> -> memref<20000x128xf32, #tpu.memory_space<hbm>>
      %dma_wait3A_102 = tpu.memref_slice %arg9[%rem3A_79] : memref<4x!tpu.dma_semaphore, #tpu.memory_space<semaphore_mem>> -> memref<1x!tpu.dma_semaphore, #tpu.memory_space<semaphore_mem>>
      %dma_wait3A_103 = tpu.memref_squeeze %dma_wait3A_102 : memref<1x!tpu.dma_semaphore, #tpu.memory_space<semaphore_mem>> -> memref<!tpu.dma_semaphore, #tpu.memory_space<semaphore_mem>>
      tpu.wait_indirect_dma semaphore(%dma_wait3A_103 : memref<!tpu.dma_semaphore, #tpu.memory_space<semaphore_mem>>) src(%dma_wait3A_101 : memref<20000x128xf32, #tpu.memory_space<hbm>>) dst(%dma_wait3A_95 : memref<80x128xf32, #tpu.memory_space<vmem>>)
      %mul3A_104 = arith.constant 2 : i32
      %mul3A_105 = arith.muli %mul3A_104, %rem3A_82 : i32
      %add3A_106 = arith.constant 1 : i32
      %add3A_107 = arith.addi %mul3A_105, %add3A_106 : i32
      "tpu.region"() ({
        %run_scoped3A_125 = tpu.sem_alloc : memref<!tpu.dma_semaphore, #tpu.memory_space<semaphore_mem>>
        %dma_start3A_126 = arith.constant 0 : i32
        %dma_start3A_127 = tpu.memref_slice %arg7[%multiple_of3A_92, %dma_start3A_126] : memref<320x128xf32, #tpu.memory_space<vmem>> -> memref<80x128xf32, #tpu.memory_space<vmem>>
        %dma_start3A_128 = arith.constant 0 : i32
        %dma_start3A_129 = tpu.memref_slice %arg6[%rem3A_84, %add3A_107, %dma_start3A_128] : memref<2x20x80xi32, #tpu.memory_space<vmem>> -> memref<1x1x80xi32, #tpu.memory_space<vmem>>
        %dma_start3A_130 = tpu.memref_squeeze %dma_start3A_129 : memref<1x1x80xi32, #tpu.memory_space<vmem>> -> memref<80xi32, #tpu.memory_space<vmem>>
        %dma_start3A_131 = arith.constant 0 : i32
        %dma_start3A_132 = arith.constant 0 : i32
        %dma_start3A_133 = tpu.memref_slice %arg8[%dma_start3A_131, %dma_start3A_132] : memref<10000x128xf32, #tpu.memory_space<vmem_shared>> -> memref<10000x128xf32, #tpu.memory_space<vmem_shared>>
        tpu.enqueue_indirect_dma source(%dma_start3A_127 : memref<80x128xf32, #tpu.memory_space<vmem>>) target(%dma_start3A_133 : memref<10000x128xf32, #tpu.memory_space<vmem_shared>>) offsets(%dma_start3A_130 : memref<80xi32, #tpu.memory_space<vmem>>) semaphore(%run_scoped3A_125 : memref<!tpu.dma_semaphore, #tpu.memory_space<semaphore_mem>>) {add = true}
        %dma_wait3A_134 = arith.constant 0 : i32
        %dma_wait3A_135 = tpu.memref_slice %arg7[%multiple_of3A_92, %dma_wait3A_134] : memref<320x128xf32, #tpu.memory_space<vmem>> -> memref<80x128xf32, #tpu.memory_space<vmem>>
        %dma_wait3A_136 = arith.constant 0 : i32
        %dma_wait3A_137 = tpu.memref_slice %arg6[%rem3A_84, %add3A_107, %dma_wait3A_136] : memref<2x20x80xi32, #tpu.memory_space<vmem>> -> memref<1x1x80xi32, #tpu.memory_space<vmem>>
        %dma_wait3A_138 = tpu.memref_squeeze %dma_wait3A_137 : memref<1x1x80xi32, #tpu.memory_space<vmem>> -> memref<80xi32, #tpu.memory_space<vmem>>
        %dma_wait3A_139 = arith.constant 0 : i32
        %dma_wait3A_140 = arith.constant 0 : i32
        %dma_wait3A_141 = tpu.memref_slice %arg8[%dma_wait3A_139, %dma_wait3A_140] : memref<10000x128xf32, #tpu.memory_space<vmem_shared>> -> memref<10000x128xf32, #tpu.memory_space<vmem_shared>>
        tpu.wait_indirect_dma semaphore(%run_scoped3A_125 : memref<!tpu.dma_semaphore, #tpu.memory_space<semaphore_mem>>) src(%dma_wait3A_135 : memref<80x128xf32, #tpu.memory_space<vmem>>) dst(%dma_wait3A_141 : memref<10000x128xf32, #tpu.memory_space<vmem_shared>>)
        tpu.yield
      }) : () -> ()
      %eq3A_108 = arith.constant 6 : i32
      %eq3A_109 = arith.cmpi eq, %rem3A_82, %eq3A_108 : i32
      %add3A_110 = arith.constant 1 : i32
      %add3A_111 = arith.addi %div3A_80, %add3A_110 : i32
      %lt3A_112 = arith.constant 25 : i32
      %lt3A_113 = arith.cmpi slt, %add3A_111, %lt3A_112 : i32
      %and3A_114 = arith.andi %eq3A_109, %lt3A_113 : i1
      %convert_element_type3A_115 = arith.extui %and3A_114 : i1 to i32
      %cond3A_116 = arith.constant 0 : i32
      %cond3A_117 = arith.cmpi ne, %convert_element_type3A_115, %cond3A_116 : i32
      scf.if %cond3A_117 {
        %sub3A = arith.constant 1 : i32
        %sub3A_125 = arith.subi %sub3A, %rem3A_84 : i32
        %sub3A_126 = arith.constant 1 : i32
        %sub3A_127 = arith.subi %sub3A_126, %rem3A_84 : i32
        %dma_wait3A_128 = arith.constant 0 : i32
        %dma_wait3A_129 = arith.constant 0 : i32
        %dma_wait3A_130 = arith.constant 0 : i32
        %dma_wait3A_131 = tpu.memref_slice %arg6[%sub3A_125, %dma_wait3A_129, %dma_wait3A_130] : memref<2x20x80xi32, #tpu.memory_space<vmem>> -> memref<1x20x80xi32, #tpu.memory_space<vmem>>
        %dma_wait3A_132 = tpu.memref_squeeze %dma_wait3A_131 : memref<1x20x80xi32, #tpu.memory_space<vmem>> -> memref<20x80xi32, #tpu.memory_space<vmem>>
        %dma_wait3A_133 = arith.constant 0 : i32
        %dma_wait3A_134 = arith.constant 0 : i32
        %dma_wait3A_135 = tpu.memref_slice %arg4[%arg0, %arg1, %dma_wait3A_128, %dma_wait3A_133, %dma_wait3A_134] : memref<2x16x25x20x80xi32, #tpu.memory_space<hbm>> -> memref<1x1x1x20x80xi32, #tpu.memory_space<hbm>>
        %dma_wait3A_136 = tpu.memref_squeeze %dma_wait3A_135 : memref<1x1x1x20x80xi32, #tpu.memory_space<hbm>> -> memref<20x80xi32, #tpu.memory_space<hbm>>
        %dma_wait3A_137 = tpu.memref_slice %arg10[%sub3A_127] : memref<2x!tpu.dma_semaphore, #tpu.memory_space<semaphore_mem>> -> memref<1x!tpu.dma_semaphore, #tpu.memory_space<semaphore_mem>>
        %dma_wait3A_138 = tpu.memref_squeeze %dma_wait3A_137 : memref<1x!tpu.dma_semaphore, #tpu.memory_space<semaphore_mem>> -> memref<!tpu.dma_semaphore, #tpu.memory_space<semaphore_mem>>
        %dma_wait3A_139 = arith.constant 0 : i32
        %dma_wait3A_140 = arith.constant 0 : i32
        %dma_wait3A_141 = tpu.memref_slice %arg6[%sub3A_125, %dma_wait3A_139, %dma_wait3A_140] : memref<2x20x80xi32, #tpu.memory_space<vmem>> -> memref<1x20x80xi32, #tpu.memory_space<vmem>>
        %dma_wait3A_142 = tpu.memref_squeeze %dma_wait3A_141 : memref<1x20x80xi32, #tpu.memory_space<vmem>> -> memref<20x80xi32, #tpu.memory_space<vmem>>
        %dma_wait3A_143 = arith.constant 0 : i32
        %dma_wait3A_144 = arith.constant 0 : i32
        %dma_wait3A_145 = tpu.memref_slice %arg4[%arg0, %arg1, %dma_wait3A_128, %dma_wait3A_143, %dma_wait3A_144] : memref<2x16x25x20x80xi32, #tpu.memory_space<hbm>> -> memref<1x1x1x20x80xi32, #tpu.memory_space<hbm>>
        %dma_wait3A_146 = tpu.memref_squeeze %dma_wait3A_145 : memref<1x1x1x20x80xi32, #tpu.memory_space<hbm>> -> memref<20x80xi32, #tpu.memory_space<hbm>>
        tpu.wait_dma2 semaphore(%dma_wait3A_138 : memref<!tpu.dma_semaphore, #tpu.memory_space<semaphore_mem>>) src(%dma_wait3A_146 : memref<20x80xi32, #tpu.memory_space<hbm>>) dst(%dma_wait3A_142 : memref<20x80xi32, #tpu.memory_space<vmem>>)
      } else {
      }
      %add3A_118 = arith.constant 4 : i32
      %add3A_119 = arith.addi %scan3A_78, %add3A_118 : i32
      %lt3A_120 = arith.constant 250 : i32
      %lt3A_121 = arith.cmpi slt, %add3A_119, %lt3A_120 : i32
      %convert_element_type3A_122 = arith.extui %lt3A_121 : i1 to i32
      %cond3A_123 = arith.constant 0 : i32
      %cond3A_124 = arith.cmpi ne, %convert_element_type3A_122, %cond3A_123 : i32
      scf.if %cond3A_124 {
        %div3A_125 = arith.constant 10 : i32
        %div3A_126 = arith.divsi %add3A_119, %div3A_125 : i32
        %rem3A_127 = arith.constant 2 : i32
        %rem3A_128 = arith.remsi %div3A_126, %rem3A_127 : i32
        %rem3A_129 = arith.constant 10 : i32
        %rem3A_130 = arith.remsi %add3A_119, %rem3A_129 : i32
        %mul3A_131 = arith.constant 2 : i32
        %mul3A_132 = arith.muli %mul3A_131, %rem3A_130 : i32
        %dma_start3A_133 = arith.constant 0 : i32
        %dma_start3A_134 = tpu.memref_slice %arg7[%multiple_of3A_92, %dma_start3A_133] : memref<320x128xf32, #tpu.memory_space<vmem>> -> memref<80x128xf32, #tpu.memory_space<vmem>>
        %dma_start3A_135 = arith.constant 0 : i32
        %dma_start3A_136 = tpu.memref_slice %arg6[%rem3A_128, %mul3A_132, %dma_start3A_135] : memref<2x20x80xi32, #tpu.memory_space<vmem>> -> memref<1x1x80xi32, #tpu.memory_space<vmem>>
        %dma_start3A_137 = tpu.memref_squeeze %dma_start3A_136 : memref<1x1x80xi32, #tpu.memory_space<vmem>> -> memref<80xi32, #tpu.memory_space<vmem>>
        %dma_start3A_138 = arith.constant 0 : i32
        %dma_start3A_139 = arith.constant 0 : i32
        %dma_start3A_140 = tpu.memref_slice %arg2[%dma_start3A_138, %dma_start3A_139] : memref<20000x128xf32, #tpu.memory_space<hbm>> -> memref<20000x128xf32, #tpu.memory_space<hbm>>
        %dma_start3A_141 = tpu.memref_slice %arg9[%rem3A_79] : memref<4x!tpu.dma_semaphore, #tpu.memory_space<semaphore_mem>> -> memref<1x!tpu.dma_semaphore, #tpu.memory_space<semaphore_mem>>
        %dma_start3A_142 = tpu.memref_squeeze %dma_start3A_141 : memref<1x!tpu.dma_semaphore, #tpu.memory_space<semaphore_mem>> -> memref<!tpu.dma_semaphore, #tpu.memory_space<semaphore_mem>>
        tpu.enqueue_indirect_dma source(%dma_start3A_140 : memref<20000x128xf32, #tpu.memory_space<hbm>>) target(%dma_start3A_134 : memref<80x128xf32, #tpu.memory_space<vmem>>) offsets(%dma_start3A_137 : memref<80xi32, #tpu.memory_space<vmem>>) semaphore(%dma_start3A_142 : memref<!tpu.dma_semaphore, #tpu.memory_space<semaphore_mem>>)
      } else {
      }
    }
    %scan3A_64 = arith.constant 250 : i32
    %barrier3A_65 = arith.constant 0 : index
    tpu.barrier barrier_id(%barrier3A_65)
    %add3A_66 = arith.constant 0 : i32
    %add3A_67 = arith.addi %multiple_of3A, %add3A_66 : i32
    %multiple_of3A_68 = tpu.assume_multiple %add3A_67, 8 : i32
    "tpu.region"() ({
      %run_scoped3A_78 = tpu.sem_alloc : memref<!tpu.dma_semaphore, #tpu.memory_space<semaphore_mem>>
      %dma_start3A_79 = arith.constant 0 : i32
      %dma_start3A_80 = tpu.memref_slice %arg8[%multiple_of3A_68, %dma_start3A_79] : memref<10000x128xf32, #tpu.memory_space<vmem_shared>> -> memref<320x128xf32, #tpu.memory_space<vmem_shared>>
      %dma_start3A_81 = arith.constant 0 : i32
      %dma_start3A_82 = tpu.memref_slice %arg8[%multiple_of3A_68, %dma_start3A_81] : memref<10000x128xf32, #tpu.memory_space<vmem_shared>> -> memref<320x128xf32, #tpu.memory_space<vmem_shared>>
      tpu.enqueue_dma source(%dma_start3A_82 : memref<320x128xf32, #tpu.memory_space<vmem_shared>>) target(%arg7 : memref<320x128xf32, #tpu.memory_space<vmem>>) target_semaphore(%run_scoped3A_78 : memref<!tpu.dma_semaphore, #tpu.memory_space<semaphore_mem>>)
      %dma_wait3A = arith.constant 0 : i32
      %dma_wait3A_83 = tpu.memref_slice %arg8[%multiple_of3A_68, %dma_wait3A] : memref<10000x128xf32, #tpu.memory_space<vmem_shared>> -> memref<320x128xf32, #tpu.memory_space<vmem_shared>>
      %dma_wait3A_84 = arith.constant 0 : i32
      %dma_wait3A_85 = tpu.memref_slice %arg8[%multiple_of3A_68, %dma_wait3A_84] : memref<10000x128xf32, #tpu.memory_space<vmem_shared>> -> memref<320x128xf32, #tpu.memory_space<vmem_shared>>
      tpu.wait_dma2 semaphore(%run_scoped3A_78 : memref<!tpu.dma_semaphore, #tpu.memory_space<semaphore_mem>>) src(%dma_wait3A_85 : memref<320x128xf32, #tpu.memory_space<vmem_shared>>) dst(%arg7 : memref<320x128xf32, #tpu.memory_space<vmem>>)
      tpu.yield
    }) : () -> ()
    %mul3A_69 = arith.constant 10000 : i32
    %mul3A_70 = arith.muli %arg0, %mul3A_69 : i32
    %add3A_71 = arith.addi %mul3A_70, %multiple_of3A_68 : i32
    "tpu.region"() ({
      %run_scoped3A_78 = tpu.sem_alloc : memref<!tpu.dma_semaphore, #tpu.memory_space<semaphore_mem>>
      %dma_start3A_79 = arith.constant 0 : i32
      %dma_start3A_80 = tpu.memref_slice %arg5[%add3A_71, %dma_start3A_79] : memref<20000x128xf32, #tpu.memory_space<hbm>> -> memref<320x128xf32, #tpu.memory_space<hbm>>
      %dma_start3A_81 = arith.constant 0 : i32
      %dma_start3A_82 = tpu.memref_slice %arg5[%add3A_71, %dma_start3A_81] : memref<20000x128xf32, #tpu.memory_space<hbm>> -> memref<320x128xf32, #tpu.memory_space<hbm>>
      tpu.enqueue_dma source(%arg7 : memref<320x128xf32, #tpu.memory_space<vmem>>) target(%dma_start3A_82 : memref<320x128xf32, #tpu.memory_space<hbm>>) target_semaphore(%run_scoped3A_78 : memref<!tpu.dma_semaphore, #tpu.memory_space<semaphore_mem>>)
      %dma_wait3A = arith.constant 0 : i32
      %dma_wait3A_83 = tpu.memref_slice %arg5[%add3A_71, %dma_wait3A] : memref<20000x128xf32, #tpu.memory_space<hbm>> -> memref<320x128xf32, #tpu.memory_space<hbm>>
      %dma_wait3A_84 = arith.constant 0 : i32
      %dma_wait3A_85 = tpu.memref_slice %arg5[%add3A_71, %dma_wait3A_84] : memref<20000x128xf32, #tpu.memory_space<hbm>> -> memref<320x128xf32, #tpu.memory_space<hbm>>
      tpu.wait_dma2 semaphore(%run_scoped3A_78 : memref<!tpu.dma_semaphore, #tpu.memory_space<semaphore_mem>>) src(%arg7 : memref<320x128xf32, #tpu.memory_space<vmem>>) dst(%dma_wait3A_85 : memref<320x128xf32, #tpu.memory_space<hbm>>)
      tpu.yield
    }) : () -> ()
    %add3A_72 = arith.constant 320 : i32
    %add3A_73 = arith.addi %multiple_of3A, %add3A_72 : i32
    %multiple_of3A_74 = tpu.assume_multiple %add3A_73, 8 : i32
    "tpu.region"() ({
      %run_scoped3A_78 = tpu.sem_alloc : memref<!tpu.dma_semaphore, #tpu.memory_space<semaphore_mem>>
      %dma_start3A_79 = arith.constant 0 : i32
      %dma_start3A_80 = tpu.memref_slice %arg8[%multiple_of3A_74, %dma_start3A_79] : memref<10000x128xf32, #tpu.memory_space<vmem_shared>> -> memref<320x128xf32, #tpu.memory_space<vmem_shared>>
      %dma_start3A_81 = arith.constant 0 : i32
      %dma_start3A_82 = tpu.memref_slice %arg8[%multiple_of3A_74, %dma_start3A_81] : memref<10000x128xf32, #tpu.memory_space<vmem_shared>> -> memref<320x128xf32, #tpu.memory_space<vmem_shared>>
      tpu.enqueue_dma source(%dma_start3A_82 : memref<320x128xf32, #tpu.memory_space<vmem_shared>>) target(%arg7 : memref<320x128xf32, #tpu.memory_space<vmem>>) target_semaphore(%run_scoped3A_78 : memref<!tpu.dma_semaphore, #tpu.memory_space<semaphore_mem>>)
      %dma_wait3A = arith.constant 0 : i32
      %dma_wait3A_83 = tpu.memref_slice %arg8[%multiple_of3A_74, %dma_wait3A] : memref<10000x128xf32, #tpu.memory_space<vmem_shared>> -> memref<320x128xf32, #tpu.memory_space<vmem_shared>>
      %dma_wait3A_84 = arith.constant 0 : i32
      %dma_wait3A_85 = tpu.memref_slice %arg8[%multiple_of3A_74, %dma_wait3A_84] : memref<10000x128xf32, #tpu.memory_space<vmem_shared>> -> memref<320x128xf32, #tpu.memory_space<vmem_shared>>
      tpu.wait_dma2 semaphore(%run_scoped3A_78 : memref<!tpu.dma_semaphore, #tpu.memory_space<semaphore_mem>>) src(%dma_wait3A_85 : memref<320x128xf32, #tpu.memory_space<vmem_shared>>) dst(%arg7 : memref<320x128xf32, #tpu.memory_space<vmem>>)
      tpu.yield
    }) : () -> ()
    %mul3A_75 = arith.constant 10000 : i32
    %mul3A_76 = arith.muli %arg0, %mul3A_75 : i32
    %add3A_77 = arith.addi %mul3A_76, %multiple_of3A_74 : i32
    "tpu.region"() ({
      %run_scoped3A_78 = tpu.sem_alloc : memref<!tpu.dma_semaphore, #tpu.memory_space<semaphore_mem>>
      %dma_start3A_79 = arith.constant 0 : i32
      %dma_start3A_80 = tpu.memref_slice %arg5[%add3A_77, %dma_start3A_79] : memref<20000x128xf32, #tpu.memory_space<hbm>> -> memref<320x128xf32, #tpu.memory_space<hbm>>
      %dma_start3A_81 = arith.constant 0 : i32
      %dma_start3A_82 = tpu.memref_slice %arg5[%add3A_77, %dma_start3A_81] : memref<20000x128xf32, #tpu.memory_space<hbm>> -> memref<320x128xf32, #tpu.memory_space<hbm>>
      tpu.enqueue_dma source(%arg7 : memref<320x128xf32, #tpu.memory_space<vmem>>) target(%dma_start3A_82 : memref<320x128xf32, #tpu.memory_space<hbm>>) target_semaphore(%run_scoped3A_78 : memref<!tpu.dma_semaphore, #tpu.memory_space<semaphore_mem>>)
      %dma_wait3A = arith.constant 0 : i32
      %dma_wait3A_83 = tpu.memref_slice %arg5[%add3A_77, %dma_wait3A] : memref<20000x128xf32, #tpu.memory_space<hbm>> -> memref<320x128xf32, #tpu.memory_space<hbm>>
      %dma_wait3A_84 = arith.constant 0 : i32
      %dma_wait3A_85 = tpu.memref_slice %arg5[%add3A_77, %dma_wait3A_84] : memref<20000x128xf32, #tpu.memory_space<hbm>> -> memref<320x128xf32, #tpu.memory_space<hbm>>
      tpu.wait_dma2 semaphore(%run_scoped3A_78 : memref<!tpu.dma_semaphore, #tpu.memory_space<semaphore_mem>>) src(%arg7 : memref<320x128xf32, #tpu.memory_space<vmem>>) dst(%dma_wait3A_85 : memref<320x128xf32, #tpu.memory_space<hbm>>)
      tpu.yield
    }) : () -> ()
    return
  }
}

module attributes {stable_mosaic.version = 14 : i64} {
  func.func @_layer1_body(%arg0: i32, %arg1: i32, %arg2: memref<1x1000x128xf32, #tpu.memory_space<vmem>>, %arg3: memref<1x1x128xf32, #tpu.memory_space<vmem>>, %arg4: memref<1x128x128xf32, #tpu.memory_space<vmem>>, %arg5: memref<1x1x128xf32, #tpu.memory_space<vmem>>, %arg6: memref<1x1x128xf32, #tpu.memory_space<vmem>>, %arg7: memref<1x1000x128xf32, #tpu.memory_space<vmem>>, %arg8: memref<1x1000x128xf32, #tpu.memory_space<vmem>>) attributes {dimension_semantics = [#tpu.dimension_semantics<arbitrary>, #tpu.dimension_semantics<arbitrary>], iteration_bounds = array<i64: 2, 10>, scalar_prefetch = 0 : i64, scratch_operands = 0 : i64, tpu.core_type = #tpu.core_type<tc>, window_params = [{transform_indices = @transform_0, window_bounds = array<i64: 1, 1000, 128>}, {transform_indices = @transform_1, window_bounds = array<i64: 1, 1, 128>}, {transform_indices = @transform_2, window_bounds = array<i64: 1, 128, 128>}, {transform_indices = @transform_3, window_bounds = array<i64: 1, 1, 128>}, {transform_indices = @transform_4, window_bounds = array<i64: 1, 1, 128>}, {transform_indices = @transform_5, window_bounds = array<i64: 1, 1000, 128>}, {transform_indices = @transform_6, window_bounds = array<i64: 1, 1000, 128>}]} {
    %get3A = arith.constant 0 : index
    %get3A_0 = arith.constant 0 : index
    %get3A_1 = arith.constant 0 : index
    %get3A_2 = vector.load %arg2[%get3A, %get3A_0, %get3A_1] : memref<1x1000x128xf32, #tpu.memory_space<vmem>>, vector<1x1000x128xf32>
    %get3A_3 = vector.shape_cast %get3A_2 : vector<1x1000x128xf32> to vector<1000x128xf32>
    %eq3A = arith.constant 0.000000e+00 : f32
    %eq3A_4 = vector.broadcast %eq3A : f32 to vector<1000x128xf32>
    %eq3A_5 = arith.cmpf oeq, %get3A_3, %eq3A_4 : vector<1000x128xf32>
    %get3A_6 = arith.constant 0 : index
    %get3A_7 = arith.constant 0 : index
    %get3A_8 = arith.constant 0 : index
    %get3A_9 = vector.load %arg3[%get3A_6, %get3A_7, %get3A_8] : memref<1x1x128xf32, #tpu.memory_space<vmem>>, vector<1x1x128xf32>
    %get3A_10 = vector.shape_cast %get3A_9 : vector<1x1x128xf32> to vector<1x128xf32>
    %broadcast_in_dim3A = vector.shape_cast %get3A_10 : vector<1x128xf32> to vector<1x128xf32>
    %broadcast_in_dim3A_11 = vector.broadcast %broadcast_in_dim3A : vector<1x128xf32> to vector<1000x128xf32>
    %select_n3A = arith.select %eq3A_5, %broadcast_in_dim3A_11, %get3A_3 : vector<1000x128xi1>, vector<1000x128xf32>
    %get3A_12 = arith.constant 0 : index
    %get3A_13 = arith.constant 0 : index
    %get3A_14 = arith.constant 0 : index
    %get3A_15 = vector.load %arg4[%get3A_12, %get3A_13, %get3A_14] : memref<1x128x128xf32, #tpu.memory_space<vmem>>, vector<1x128x128xf32>
    %get3A_16 = vector.shape_cast %get3A_15 : vector<1x128x128xf32> to vector<128x128xf32>
    %dot_general3A = arith.constant dense<0.000000e+00> : vector<1000x128xf32>
    %dot_general3A_17 = tpu.matmul %select_n3A, %get3A_16, %dot_general3A {dimension_numbers = #tpu.dot_dimension_numbers<[1], [0], [0], [1], [0, 0, 1, 1], [], []>, transpose_lhs_hint = false} : vector<1000x128xf32>, vector<128x128xf32>, vector<1000x128xf32> -> vector<1000x128xf32>
    %swap3A = arith.constant 0 : index
    %swap3A_18 = arith.constant 0 : index
    %swap3A_19 = arith.constant 0 : index
    %swap3A_20 = vector.load %arg7[%swap3A, %swap3A_18, %swap3A_19] : memref<1x1000x128xf32, #tpu.memory_space<vmem>>, vector<1x1000x128xf32>
    %swap3A_21 = vector.shape_cast %swap3A_20 : vector<1x1000x128xf32> to vector<1000x128xf32>
    %swap3A_22 = vector.shape_cast %dot_general3A_17 : vector<1000x128xf32> to vector<1x1000x128xf32>
    tpu.vector_store %arg7[%swap3A, %swap3A_18, %swap3A_19], %swap3A_22 {strides = array<i32>} : memref<1x1000x128xf32, #tpu.memory_space<vmem>>, vector<1x1000x128xf32>,
    %get3A_23 = arith.constant 0 : index
    %get3A_24 = arith.constant 0 : index
    %get3A_25 = arith.constant 0 : index
    %get3A_26 = vector.load %arg5[%get3A_23, %get3A_24, %get3A_25] : memref<1x1x128xf32, #tpu.memory_space<vmem>>, vector<1x1x128xf32>
    %get3A_27 = vector.shape_cast %get3A_26 : vector<1x1x128xf32> to vector<1x128xf32>
    %mul3A = vector.broadcast %get3A_27 : vector<1x128xf32> to vector<1000x128xf32>
    %mul3A_28 = arith.mulf %dot_general3A_17, %mul3A : vector<1000x128xf32>
    %get3A_29 = arith.constant 0 : index
    %get3A_30 = arith.constant 0 : index
    %get3A_31 = arith.constant 0 : index
    %get3A_32 = vector.load %arg6[%get3A_29, %get3A_30, %get3A_31] : memref<1x1x128xf32, #tpu.memory_space<vmem>>, vector<1x1x128xf32>
    %get3A_33 = vector.shape_cast %get3A_32 : vector<1x1x128xf32> to vector<1x128xf32>
    %add3A = vector.broadcast %get3A_33 : vector<1x128xf32> to vector<1000x128xf32>
    %add3A_34 = arith.addf %mul3A_28, %add3A : vector<1000x128xf32>
    %swap3A_35 = arith.constant 0 : index
    %swap3A_36 = arith.constant 0 : index
    %swap3A_37 = arith.constant 0 : index
    %swap3A_38 = vector.load %arg8[%swap3A_35, %swap3A_36, %swap3A_37] : memref<1x1000x128xf32, #tpu.memory_space<vmem>>, vector<1x1000x128xf32>
    %swap3A_39 = vector.shape_cast %swap3A_38 : vector<1x1000x128xf32> to vector<1000x128xf32>
    %swap3A_40 = vector.shape_cast %add3A_34 : vector<1000x128xf32> to vector<1x1000x128xf32>
    tpu.vector_store %arg8[%swap3A_35, %swap3A_36, %swap3A_37], %swap3A_40 {strides = array<i32>} : memref<1x1000x128xf32, #tpu.memory_space<vmem>>, vector<1x1000x128xf32>,
    return
  }
  func.func @transform_0(%arg0: i32, %arg1: i32) -> (i32, i32, i32) {
    %c0_i32 = arith.constant 0 : i32
    %c0_i32_0 = arith.constant 0 : i32
    return %arg0, %arg1, %c0_i32 : i32, i32, i32
  }
  func.func @transform_1(%arg0: i32, %arg1: i32) -> (i32, i32, i32) {
    %c0_i32 = arith.constant 0 : i32
    %c0_i32_0 = arith.constant 0 : i32
    %c0_i32_1 = arith.constant 0 : i32
    return %arg0, %c0_i32, %c0_i32_0 : i32, i32, i32
  }
  func.func @transform_2(%arg0: i32, %arg1: i32) -> (i32, i32, i32) {
    %c0_i32 = arith.constant 0 : i32
    %c0_i32_0 = arith.constant 0 : i32
    %c0_i32_1 = arith.constant 0 : i32
    return %arg0, %c0_i32, %c0_i32_0 : i32, i32, i32
  }
  func.func @transform_3(%arg0: i32, %arg1: i32) -> (i32, i32, i32) {
    %c0_i32 = arith.constant 0 : i32
    %c0_i32_0 = arith.constant 0 : i32
    %c0_i32_1 = arith.constant 0 : i32
    return %arg0, %c0_i32, %c0_i32_0 : i32, i32, i32
  }
  func.func @transform_4(%arg0: i32, %arg1: i32) -> (i32, i32, i32) {
    %c0_i32 = arith.constant 0 : i32
    %c0_i32_0 = arith.constant 0 : i32
    %c0_i32_1 = arith.constant 0 : i32
    return %arg0, %c0_i32, %c0_i32_0 : i32, i32, i32
  }
  func.func @transform_5(%arg0: i32, %arg1: i32) -> (i32, i32, i32) {
    %c0_i32 = arith.constant 0 : i32
    %c0_i32_0 = arith.constant 0 : i32
    return %arg0, %arg1, %c0_i32 : i32, i32, i32
  }
  func.func @transform_6(%arg0: i32, %arg1: i32) -> (i32, i32, i32) {
    %c0_i32 = arith.constant 0 : i32
    %c0_i32_0 = arith.constant 0 : i32
    return %arg0, %arg1, %c0_i32 : i32, i32, i32
  }
}

module attributes {stable_mosaic.version = 14 : i64} {
  func.func @_layer2_body(%arg0: i32, %arg1: i32, %arg2: memref<1x1000x128xf32, #tpu.memory_space<vmem>>, %arg3: memref<1x128x128xf32, #tpu.memory_space<vmem>>, %arg4: memref<1x1x128xf32, #tpu.memory_space<vmem>>, %arg5: memref<1x1x128xf32, #tpu.memory_space<vmem>>, %arg6: memref<1x1000x128xf32, #tpu.memory_space<vmem>>, %arg7: memref<1x1000x128xf32, #tpu.memory_space<vmem>>) attributes {dimension_semantics = [#tpu.dimension_semantics<arbitrary>, #tpu.dimension_semantics<arbitrary>], iteration_bounds = array<i64: 2, 10>, scalar_prefetch = 0 : i64, scratch_operands = 0 : i64, tpu.core_type = #tpu.core_type<tc>, window_params = [{transform_indices = @transform_0, window_bounds = array<i64: 1, 1000, 128>}, {transform_indices = @transform_1, window_bounds = array<i64: 1, 128, 128>}, {transform_indices = @transform_2, window_bounds = array<i64: 1, 1, 128>}, {transform_indices = @transform_3, window_bounds = array<i64: 1, 1, 128>}, {transform_indices = @transform_4, window_bounds = array<i64: 1, 1000, 128>}, {transform_indices = @transform_5, window_bounds = array<i64: 1, 1000, 128>}]} {
    %get3A = arith.constant 0 : index
    %get3A_0 = arith.constant 0 : index
    %get3A_1 = arith.constant 0 : index
    %get3A_2 = vector.load %arg2[%get3A, %get3A_0, %get3A_1] : memref<1x1000x128xf32, #tpu.memory_space<vmem>>, vector<1x1000x128xf32>
    %get3A_3 = vector.shape_cast %get3A_2 : vector<1x1000x128xf32> to vector<1000x128xf32>
    %ge3A = arith.constant 0.000000e+00 : f32
    %ge3A_4 = vector.broadcast %ge3A : f32 to vector<1000x128xf32>
    %ge3A_5 = arith.cmpf oge, %get3A_3, %ge3A_4 : vector<1000x128xf32>
    %mul3A = arith.constant 2.000000e-01 : f32
    %mul3A_6 = vector.broadcast %mul3A : f32 to vector<1000x128xf32>
    %mul3A_7 = arith.mulf %mul3A_6, %get3A_3 : vector<1000x128xf32>
    %select_n3A = arith.select %ge3A_5, %get3A_3, %mul3A_7 : vector<1000x128xi1>, vector<1000x128xf32>
    %get3A_8 = arith.constant 0 : index
    %get3A_9 = arith.constant 0 : index
    %get3A_10 = arith.constant 0 : index
    %get3A_11 = vector.load %arg3[%get3A_8, %get3A_9, %get3A_10] : memref<1x128x128xf32, #tpu.memory_space<vmem>>, vector<1x128x128xf32>
    %get3A_12 = vector.shape_cast %get3A_11 : vector<1x128x128xf32> to vector<128x128xf32>
    %dot_general3A = arith.constant dense<0.000000e+00> : vector<1000x128xf32>
    %dot_general3A_13 = tpu.matmul %select_n3A, %get3A_12, %dot_general3A {dimension_numbers = #tpu.dot_dimension_numbers<[1], [0], [0], [1], [0, 0, 1, 1], [], []>, transpose_lhs_hint = false} : vector<1000x128xf32>, vector<128x128xf32>, vector<1000x128xf32> -> vector<1000x128xf32>
    %swap3A = arith.constant 0 : index
    %swap3A_14 = arith.constant 0 : index
    %swap3A_15 = arith.constant 0 : index
    %swap3A_16 = vector.load %arg6[%swap3A, %swap3A_14, %swap3A_15] : memref<1x1000x128xf32, #tpu.memory_space<vmem>>, vector<1x1000x128xf32>
    %swap3A_17 = vector.shape_cast %swap3A_16 : vector<1x1000x128xf32> to vector<1000x128xf32>
    %swap3A_18 = vector.shape_cast %dot_general3A_13 : vector<1000x128xf32> to vector<1x1000x128xf32>
    tpu.vector_store %arg6[%swap3A, %swap3A_14, %swap3A_15], %swap3A_18 {strides = array<i32>} : memref<1x1000x128xf32, #tpu.memory_space<vmem>>, vector<1x1000x128xf32>,
    %get3A_19 = arith.constant 0 : index
    %get3A_20 = arith.constant 0 : index
    %get3A_21 = arith.constant 0 : index
    %get3A_22 = vector.load %arg4[%get3A_19, %get3A_20, %get3A_21] : memref<1x1x128xf32, #tpu.memory_space<vmem>>, vector<1x1x128xf32>
    %get3A_23 = vector.shape_cast %get3A_22 : vector<1x1x128xf32> to vector<1x128xf32>
    %mul3A_24 = vector.broadcast %get3A_23 : vector<1x128xf32> to vector<1000x128xf32>
    %mul3A_25 = arith.mulf %dot_general3A_13, %mul3A_24 : vector<1000x128xf32>
    %get3A_26 = arith.constant 0 : index
    %get3A_27 = arith.constant 0 : index
    %get3A_28 = arith.constant 0 : index
    %get3A_29 = vector.load %arg5[%get3A_26, %get3A_27, %get3A_28] : memref<1x1x128xf32, #tpu.memory_space<vmem>>, vector<1x1x128xf32>
    %get3A_30 = vector.shape_cast %get3A_29 : vector<1x1x128xf32> to vector<1x128xf32>
    %add3A = vector.broadcast %get3A_30 : vector<1x128xf32> to vector<1000x128xf32>
    %add3A_31 = arith.addf %mul3A_25, %add3A : vector<1000x128xf32>
    %swap3A_32 = arith.constant 0 : index
    %swap3A_33 = arith.constant 0 : index
    %swap3A_34 = arith.constant 0 : index
    %swap3A_35 = vector.load %arg7[%swap3A_32, %swap3A_33, %swap3A_34] : memref<1x1000x128xf32, #tpu.memory_space<vmem>>, vector<1x1000x128xf32>
    %swap3A_36 = vector.shape_cast %swap3A_35 : vector<1x1000x128xf32> to vector<1000x128xf32>
    %swap3A_37 = vector.shape_cast %add3A_31 : vector<1000x128xf32> to vector<1x1000x128xf32>
    tpu.vector_store %arg7[%swap3A_32, %swap3A_33, %swap3A_34], %swap3A_37 {strides = array<i32>} : memref<1x1000x128xf32, #tpu.memory_space<vmem>>, vector<1x1000x128xf32>,
    return
  }
  func.func @transform_0(%arg0: i32, %arg1: i32) -> (i32, i32, i32) {
    %c0_i32 = arith.constant 0 : i32
    %c0_i32_0 = arith.constant 0 : i32
    return %arg0, %arg1, %c0_i32 : i32, i32, i32
  }
  func.func @transform_1(%arg0: i32, %arg1: i32) -> (i32, i32, i32) {
    %c0_i32 = arith.constant 0 : i32
    %c0_i32_0 = arith.constant 0 : i32
    %c0_i32_1 = arith.constant 0 : i32
    return %arg0, %c0_i32, %c0_i32_0 : i32, i32, i32
  }
  func.func @transform_2(%arg0: i32, %arg1: i32) -> (i32, i32, i32) {
    %c0_i32 = arith.constant 0 : i32
    %c0_i32_0 = arith.constant 0 : i32
    %c0_i32_1 = arith.constant 0 : i32
    return %arg0, %c0_i32, %c0_i32_0 : i32, i32, i32
  }
  func.func @transform_3(%arg0: i32, %arg1: i32) -> (i32, i32, i32) {
    %c0_i32 = arith.constant 0 : i32
    %c0_i32_0 = arith.constant 0 : i32
    %c0_i32_1 = arith.constant 0 : i32
    return %arg0, %c0_i32, %c0_i32_0 : i32, i32, i32
  }
  func.func @transform_4(%arg0: i32, %arg1: i32) -> (i32, i32, i32) {
    %c0_i32 = arith.constant 0 : i32
    %c0_i32_0 = arith.constant 0 : i32
    return %arg0, %arg1, %c0_i32 : i32, i32, i32
  }
  func.func @transform_5(%arg0: i32, %arg1: i32) -> (i32, i32, i32) {
    %c0_i32 = arith.constant 0 : i32
    %c0_i32_0 = arith.constant 0 : i32
    return %arg0, %arg1, %c0_i32 : i32, i32, i32
  }
}

module attributes {stable_mosaic.version = 14 : i64} {
  func.func @_head_body(%arg0: i32, %arg1: memref<2x1000x128xf32, #tpu.memory_space<vmem>>, %arg2: memref<1000x8xf32, #tpu.memory_space<vmem>>, %arg3: memref<256x10xf32, #tpu.memory_space<vmem>>, %arg4: memref<1x10xf32, #tpu.memory_space<vmem>>, %arg5: memref<10x128xf32, #tpu.memory_space<vmem>>, %arg6: memref<1x128xf32, #tpu.memory_space<vmem>>, %arg7: memref<128x10xf32, #tpu.memory_space<vmem>>, %arg8: memref<1x10xf32, #tpu.memory_space<vmem>>, %arg9: memref<1000x10xf32, #tpu.memory_space<vmem>>, %arg10: memref<1000x10xf32, #tpu.memory_space<vmem>>) attributes {dimension_semantics = [#tpu.dimension_semantics<arbitrary>], iteration_bounds = array<i64: 10>, scalar_prefetch = 0 : i64, scratch_operands = 0 : i64, tpu.core_type = #tpu.core_type<tc>, window_params = [{transform_indices = @transform_0, window_bounds = array<i64: 2, 1000, 128>}, {transform_indices = @transform_1, window_bounds = array<i64: 1000, 8>}, {pipeline_mode = #tpu.pipeline_mode<synchronous>, transform_indices = @transform_2, window_bounds = array<i64: 256, 10>}, {pipeline_mode = #tpu.pipeline_mode<synchronous>, transform_indices = @transform_3, window_bounds = array<i64: 1, 10>}, {pipeline_mode = #tpu.pipeline_mode<synchronous>, transform_indices = @transform_4, window_bounds = array<i64: 10, 128>}, {pipeline_mode = #tpu.pipeline_mode<synchronous>, transform_indices = @transform_5, window_bounds = array<i64: 1, 128>}, {pipeline_mode = #tpu.pipeline_mode<synchronous>, transform_indices = @transform_6, window_bounds = array<i64: 128, 10>}, {pipeline_mode = #tpu.pipeline_mode<synchronous>, transform_indices = @transform_7, window_bounds = array<i64: 1, 10>}, {transform_indices = @transform_8, window_bounds = array<i64: 1000, 10>}, {transform_indices = @transform_9, window_bounds = array<i64: 1000, 10>}]} {
    %get3A = arith.constant 0 : index
    %get3A_0 = arith.constant 0 : index
    %get3A_1 = arith.constant 0 : index
    %get3A_2 = vector.load %arg1[%get3A, %get3A_0, %get3A_1] : memref<2x1000x128xf32, #tpu.memory_space<vmem>>, vector<1x1000x128xf32>
    %get3A_3 = vector.shape_cast %get3A_2 : vector<1x1000x128xf32> to vector<1000x128xf32>
    %ge3A = arith.constant 0.000000e+00 : f32
    %ge3A_4 = vector.broadcast %ge3A : f32 to vector<1000x128xf32>
    %ge3A_5 = arith.cmpf oge, %get3A_3, %ge3A_4 : vector<1000x128xf32>
    %mul3A = arith.constant 2.000000e-01 : f32
    %mul3A_6 = vector.broadcast %mul3A : f32 to vector<1000x128xf32>
    %mul3A_7 = arith.mulf %mul3A_6, %get3A_3 : vector<1000x128xf32>
    %select_n3A = arith.select %ge3A_5, %get3A_3, %mul3A_7 : vector<1000x128xi1>, vector<1000x128xf32>
    %get3A_8 = arith.constant 1 : index
    %get3A_9 = arith.constant 0 : index
    %get3A_10 = arith.constant 0 : index
    %get3A_11 = vector.load %arg1[%get3A_8, %get3A_9, %get3A_10] : memref<2x1000x128xf32, #tpu.memory_space<vmem>>, vector<1x1000x128xf32>
    %get3A_12 = vector.shape_cast %get3A_11 : vector<1x1000x128xf32> to vector<1000x128xf32>
    %ge3A_13 = arith.constant 0.000000e+00 : f32
    %ge3A_14 = vector.broadcast %ge3A_13 : f32 to vector<1000x128xf32>
    %ge3A_15 = arith.cmpf oge, %get3A_12, %ge3A_14 : vector<1000x128xf32>
    %mul3A_16 = arith.constant 2.000000e-01 : f32
    %mul3A_17 = vector.broadcast %mul3A_16 : f32 to vector<1000x128xf32>
    %mul3A_18 = arith.mulf %mul3A_17, %get3A_12 : vector<1000x128xf32>
    %select_n3A_19 = arith.select %ge3A_15, %get3A_12, %mul3A_18 : vector<1000x128xi1>, vector<1000x128xf32>
    %get3A_20 = arith.constant 0 : index
    %get3A_21 = arith.constant 0 : index
    %get3A_22 = vector.load %arg3[%get3A_20, %get3A_21] : memref<256x10xf32, #tpu.memory_space<vmem>>, vector<256x10xf32>
    %slice3A = vector.extract_strided_slice %get3A_22 {offsets = [0, 0], sizes = [128, 10], strides = [1, 1]} : vector<256x10xf32> to vector<128x10xf32>
    %dot_general3A = arith.constant dense<0.000000e+00> : vector<1000x10xf32>
    %dot_general3A_23 = tpu.matmul %select_n3A, %slice3A, %dot_general3A {dimension_numbers = #tpu.dot_dimension_numbers<[1], [0], [0], [1], [0, 0, 1, 1], [], []>, transpose_lhs_hint = false} : vector<1000x128xf32>, vector<128x10xf32>, vector<1000x10xf32> -> vector<1000x10xf32>
    %slice3A_24 = vector.extract_strided_slice %get3A_22 {offsets = [128, 0], sizes = [128, 10], strides = [1, 1]} : vector<256x10xf32> to vector<128x10xf32>
    %dot_general3A_25 = arith.constant dense<0.000000e+00> : vector<1000x10xf32>
    %dot_general3A_26 = tpu.matmul %select_n3A_19, %slice3A_24, %dot_general3A_25 {dimension_numbers = #tpu.dot_dimension_numbers<[1], [0], [0], [1], [0, 0, 1, 1], [], []>, transpose_lhs_hint = false} : vector<1000x128xf32>, vector<128x10xf32>, vector<1000x10xf32> -> vector<1000x10xf32>
    %add3A = arith.addf %dot_general3A_23, %dot_general3A_26 : vector<1000x10xf32>
    %get3A_27 = arith.constant 0 : index
    %get3A_28 = arith.constant 0 : index
    %get3A_29 = vector.load %arg4[%get3A_27, %get3A_28] : memref<1x10xf32, #tpu.memory_space<vmem>>, vector<1x10xf32>
    %add3A_30 = vector.broadcast %get3A_29 : vector<1x10xf32> to vector<1000x10xf32>
    %add3A_31 = arith.addf %add3A, %add3A_30 : vector<1000x10xf32>
    %ge3A_32 = arith.constant 0.000000e+00 : f32
    %ge3A_33 = vector.broadcast %ge3A_32 : f32 to vector<1000x10xf32>
    %ge3A_34 = arith.cmpf oge, %add3A_31, %ge3A_33 : vector<1000x10xf32>
    %mul3A_35 = arith.constant 2.000000e-01 : f32
    %mul3A_36 = vector.broadcast %mul3A_35 : f32 to vector<1000x10xf32>
    %mul3A_37 = arith.mulf %mul3A_36, %add3A_31 : vector<1000x10xf32>
    %select_n3A_38 = arith.select %ge3A_34, %add3A_31, %mul3A_37 : vector<1000x10xi1>, vector<1000x10xf32>
    %swap3A = arith.constant 0 : index
    %swap3A_39 = arith.constant 0 : index
    %swap3A_40 = vector.load %arg9[%swap3A, %swap3A_39] : memref<1000x10xf32, #tpu.memory_space<vmem>>, vector<1000x10xf32>
    tpu.vector_store %arg9[%swap3A, %swap3A_39], %select_n3A_38 {strides = array<i32>} : memref<1000x10xf32, #tpu.memory_space<vmem>>, vector<1000x10xf32>,
    %get3A_41 = arith.constant 0 : index
    %get3A_42 = arith.constant 0 : index
    %get3A_43 = vector.load %arg2[%get3A_41, %get3A_42] : memref<1000x8xf32, #tpu.memory_space<vmem>>, vector<1000x8xf32>
    %slice3A_44 = vector.extract_strided_slice %get3A_43 {offsets = [0, 0], sizes = [1000, 1], strides = [1, 1]} : vector<1000x8xf32> to vector<1000x1xf32>
    %mul3A_45 = vector.broadcast %slice3A_44 : vector<1000x1xf32> to vector<1000x10xf32>
    %mul3A_46 = arith.mulf %select_n3A_38, %mul3A_45 : vector<1000x10xf32>
    %get3A_47 = arith.constant 0 : index
    %get3A_48 = arith.constant 0 : index
    %get3A_49 = vector.load %arg5[%get3A_47, %get3A_48] : memref<10x128xf32, #tpu.memory_space<vmem>>, vector<10x128xf32>
    %dot_general3A_50 = arith.constant dense<0.000000e+00> : vector<1000x128xf32>
    %dot_general3A_51 = tpu.matmul %mul3A_46, %get3A_49, %dot_general3A_50 {dimension_numbers = #tpu.dot_dimension_numbers<[1], [0], [0], [1], [0, 0, 1, 1], [], []>, transpose_lhs_hint = false} : vector<1000x10xf32>, vector<10x128xf32>, vector<1000x128xf32> -> vector<1000x128xf32>
    %get3A_52 = arith.constant 0 : index
    %get3A_53 = arith.constant 0 : index
    %get3A_54 = vector.load %arg6[%get3A_52, %get3A_53] : memref<1x128xf32, #tpu.memory_space<vmem>>, vector<1x128xf32>
    %add3A_55 = vector.broadcast %get3A_54 : vector<1x128xf32> to vector<1000x128xf32>
    %add3A_56 = arith.addf %dot_general3A_51, %add3A_55 : vector<1000x128xf32>
    %max3A = arith.constant 0.000000e+00 : f32
    %max3A_57 = vector.broadcast %max3A : f32 to vector<1000x128xf32>
    %max3A_58 = arith.maximumf %add3A_56, %max3A_57 : vector<1000x128xf32>
    %get3A_59 = arith.constant 0 : index
    %get3A_60 = arith.constant 0 : index
    %get3A_61 = vector.load %arg7[%get3A_59, %get3A_60] : memref<128x10xf32, #tpu.memory_space<vmem>>, vector<128x10xf32>
    %dot_general3A_62 = arith.constant dense<0.000000e+00> : vector<1000x10xf32>
    %dot_general3A_63 = tpu.matmul %max3A_58, %get3A_61, %dot_general3A_62 {dimension_numbers = #tpu.dot_dimension_numbers<[1], [0], [0], [1], [0, 0, 1, 1], [], []>, transpose_lhs_hint = false} : vector<1000x128xf32>, vector<128x10xf32>, vector<1000x10xf32> -> vector<1000x10xf32>
    %get3A_64 = arith.constant 0 : index
    %get3A_65 = arith.constant 0 : index
    %get3A_66 = vector.load %arg8[%get3A_64, %get3A_65] : memref<1x10xf32, #tpu.memory_space<vmem>>, vector<1x10xf32>
    %add3A_67 = vector.broadcast %get3A_66 : vector<1x10xf32> to vector<1000x10xf32>
    %add3A_68 = arith.addf %dot_general3A_63, %add3A_67 : vector<1000x10xf32>
    %swap3A_69 = arith.constant 0 : index
    %swap3A_70 = arith.constant 0 : index
    %swap3A_71 = vector.load %arg10[%swap3A_69, %swap3A_70] : memref<1000x10xf32, #tpu.memory_space<vmem>>, vector<1000x10xf32>
    tpu.vector_store %arg10[%swap3A_69, %swap3A_70], %add3A_68 {strides = array<i32>} : memref<1000x10xf32, #tpu.memory_space<vmem>>, vector<1000x10xf32>,
    return
  }
  func.func @transform_0(%arg0: i32) -> (i32, i32, i32) {
    %c0_i32 = arith.constant 0 : i32
    %c0_i32_0 = arith.constant 0 : i32
    %c0_i32_1 = arith.constant 0 : i32
    return %c0_i32, %arg0, %c0_i32_0 : i32, i32, i32
  }
  func.func @transform_1(%arg0: i32) -> (i32, i32) {
    %c0_i32 = arith.constant 0 : i32
    %c0_i32_0 = arith.constant 0 : i32
    return %arg0, %c0_i32 : i32, i32
  }
  func.func @transform_2(%arg0: i32) -> (i32, i32) {
    %c0_i32 = arith.constant 0 : i32
    %c0_i32_0 = arith.constant 0 : i32
    %c0_i32_1 = arith.constant 0 : i32
    return %c0_i32, %c0_i32_0 : i32, i32
  }
  func.func @transform_3(%arg0: i32) -> (i32, i32) {
    %c0_i32 = arith.constant 0 : i32
    %c0_i32_0 = arith.constant 0 : i32
    %c0_i32_1 = arith.constant 0 : i32
    return %c0_i32, %c0_i32_0 : i32, i32
  }
  func.func @transform_4(%arg0: i32) -> (i32, i32) {
    %c0_i32 = arith.constant 0 : i32
    %c0_i32_0 = arith.constant 0 : i32
    %c0_i32_1 = arith.constant 0 : i32
    return %c0_i32, %c0_i32_0 : i32, i32
  }
  func.func @transform_5(%arg0: i32) -> (i32, i32) {
    %c0_i32 = arith.constant 0 : i32
    %c0_i32_0 = arith.constant 0 : i32
    %c0_i32_1 = arith.constant 0 : i32
    return %c0_i32, %c0_i32_0 : i32, i32
  }
  func.func @transform_6(%arg0: i32) -> (i32, i32) {
    %c0_i32 = arith.constant 0 : i32
    %c0_i32_0 = arith.constant 0 : i32
    %c0_i32_1 = arith.constant 0 : i32
    return %c0_i32, %c0_i32_0 : i32, i32
  }
  func.func @transform_7(%arg0: i32) -> (i32, i32) {
    %c0_i32 = arith.constant 0 : i32
    %c0_i32_0 = arith.constant 0 : i32
    %c0_i32_1 = arith.constant 0 : i32
    return %c0_i32, %c0_i32_0 : i32, i32
  }
  func.func @transform_8(%arg0: i32) -> (i32, i32) {
    %c0_i32 = arith.constant 0 : i32
    %c0_i32_0 = arith.constant 0 : i32
    return %arg0, %c0_i32 : i32, i32
  }
  func.func @transform_9(%arg0: i32) -> (i32, i32) {
    %c0_i32 = arith.constant 0 : i32
    %c0_i32_0 = arith.constant 0 : i32
    return %arg0, %c0_i32 : i32, i32
  }
}

</mosaic_0001>

<sc_bundles>
// kernel: kernel.10.cloned.1.call-start
scs
__scs_entry_jumppad:
0x0: {  	(pc) =	sbr.rel $0x88, $3  }
0x1: {  	(tag) =	ssettag $0x0;
	lr =	simm.s32 $0x1  }
0x2: {  	[smem:$0x3F89] =	sst lr;
	_ =	strace $0xD0000000  }
0x3: {  	_ = 	snop  }
0x4: {  	_ = 	snop  }
0x5: {  	_ = 	snop  }
0x6: {  	_ = 	snop  }
0x7: {  	_ = 	snop  }
__scs_overlays_trampoline_lowered:
0x8: {  	[smem:$0x3F98] =	sst s0  }
0x9: {  	[smem:$0x3F99] =	sst s1  }
0xa: {  	[smem:$0x3F9A] =	sst s2  }
0xb: {  	[smem:$0x3F9B] =	sst s3  }
0xc: {  	[smem:$0x3F9C] =	sst s4  }
0xd: {  	[smem:$0x3F9D] =	sst s5  }
0xe: {  	[smem:$0x3F9E] =	sst s6  }
0xf: {  	[smem:$0x3F9F] =	sst s7  }
0x10: {  	[smem:$0x3FA0] =	sst s8  }
0x11: {  	[smem:$0x3FA1] =	sst s9;
	s0 =	simm.s32 @!p0 $0x0  }
0x12: {  	s1 =	sld [smem:$0x3F87];
	s0 =	simm.s32 @p0 $0x1  }
0x13: {  	[smem:$0x3FA2] =	sst s0;
	s0 =	simm.s32 @!p1 $0x0  }
0x14: {  	s2 =	sld [smem:$0x3F86];
	s0 =	simm.s32 @p1 $0x1  }
0x15: {  	[smem:$0x3FA3] =	sst s0;
	s0 =	simm.s32 @!p2 $0x0  }
0x16: {  	s3 =	sld [smem:$0x3FDB];
	s0 =	simm.s32 @p2 $0x1  }
0x17: {  	s4 =	simm.s32 $0x1BF5;
	[smem:$0x3FA5] =	sst s0  }
0x18: {  	s0 =	sld [smem:$0x3F88];
	_ =	swait.ge [sflag:s4], $0x0  }
0x19: {  	s7 =	sld [smem:$0x3F89]  }
0x1a: {  	s8 =	sadd.s32 $0xFFFFE003, lr  }
0x1b: {  	s9 =	sadd.s32 $0xFFFFFEF7, lr;
	s5 =	simm.s32 $0xFFFFFFFF;
	p2 =	slt.u32 s8, $0xFFFFF086  }
0x1c: {  	p1 =	slt.u32 s9, $0xF7A;
	s5 =	simm.s32 @!p2 $0x0  }
0x1d: {  	s5 =	simm.s32 @p1 $0x1;
	p0 =	seq.s32 s7, s2  }
0x1e: {  	s7 =	smul.u32 @!p0 $0xF7A, s2;
	p2 =	seq.s32 @!p0 s5, $0x0  }
0x1f: {  	s9 =	smul.u32 $0xF7A, s1;
	s8 =	simm.s32 @!p0 $0x1BF5;
	p2 =	por !p2, p0  }
0x20: {  	[sflag:s8] =	ssyncset.s32 @!p0 $0xFFFFF086;
	s6 =	sadd.s32 @!p0 s3, s7;
	s7 =	simm.s32 @!p0 $0x108  }
0x21: {  	s3 =	sadd.s32 s3, s9;
	s6 =	sadd.s32 @!p0 $0x88, s6;
	s7 =	simm.s32 @p2 $0x1082  }
0x22: {  	[simem:s7], [sflag:s8] =	dma.local @!p0 [hbm:s6], $0xF7A  }
0x23: {  	s9 =	sor.u32 $0xD0000000, s2;
	s6 =	simm.s32 $0x108;
	_ =	swait.ge @!p0 [sflag:s8], $0x0  }
0x24: {  	s3 =	sadd.s32 $0x88, s3;
	s6 =	simm.s32 @!p1 $0x1082;
	[sflag:s4] =	ssyncset.s32 $0xFFFFF086  }
0x25: {  	[simem:s6], [sflag:s4] =	dma.local [hbm:s3], $0xF7A  }
0x26: {  	[smem:$0x3F89] =	sst s1;
	(tag) =	ssettag s2;
	_ =	strace s9  }
0x27: {  	s1 =	sld [smem:$0x3F99]  }
0x28: {  	s2 =	sld [smem:$0x3F9A]  }
0x29: {  	s4 =	sld [smem:$0x3F9C]  }
0x2a: {  	p0 =	seq.s32 s5, $0x0;
	s5 =	sld [smem:$0x3F9D]  }
0x2b: {  	s6 =	sld [smem:$0x3F9E]  }
0x2c: {  	s7 =	sld [smem:$0x3F9F]  }
0x2d: {  	s3 =	simm.s32 $0x108;
	s8 =	sld [smem:$0x3FA0]  }
0x2e: {  	s3 =	simm.s32 @!p0 $0x1082;
	s9 =	sld [smem:$0x3FA1]  }
0x2f: {  	lr =	sadd.s32 s0, s3;
	s0 =	sld [smem:$0x3F98]  }
0x30: {  	s3 =	sld [smem:$0x3F9B]  }
0x31: {  	[smem:$0x3FA4] =	sst s10  }
0x32: {  	s10 =	sld [smem:$0x3FA2];
	_ =	sdelay $0x3  }
0x33: {  	p0 =	seq.s32 s10, $0x1;
	s10 =	sld [smem:$0x3FA4];
	_ =	sdelay $0x3  }
0x34: {  	[smem:$0x3FA4] =	sst s10  }
0x35: {  	s10 =	sld [smem:$0x3FA3];
	_ =	sdelay $0x3  }
0x36: {  	p1 =	seq.s32 s10, $0x1;
	s10 =	sld [smem:$0x3FA4];
	_ =	sdelay $0x3  }
0x37: {  	[smem:$0x3FA4] =	sst s10  }
0x38: {  	s10 =	sld [smem:$0x3FA5]  }
0x39: {  	_ = 	snop;
	(pc) =	sbr.ind lr, $3  }
0x3a: {  	_ = 	snop  }
0x3b: {  	_ = 	snop  }
0x3c: {  	p2 =	seq.s32 s10, $0x1;
	s10 =	sld [smem:$0x3FA4]  }
0x3d: {  	_ =	shalt  }
0x3e: {  	_ =	shalt  }
0x3f: {  	_ =	shalt  }
0x40: {  	_ =	shalt  }
0x41: {  	_ =	shalt  }
0x42: {  	_ =	shalt  }
0x43: {  	_ =	shalt  }
0x44: {  	_ =	shalt  }
0x45: {  	_ =	shalt  }
0x46: {  	_ =	shalt  }
0x47: {  	_ =	shalt  }
0x48: {  	_ =	shalt  }
0x49: {  	_ =	shalt  }
0x4a: {  	_ =	shalt  }
0x4b: {  	_ =	shalt  }
0x4c: {  	_ =	shalt  }
0x4d: {  	_ =	shalt  }
0x4e: {  	_ =	shalt  }
0x4f: {  	_ =	shalt  }
0x50: {  	_ =	shalt  }
0x51: {  	_ =	shalt  }
0x52: {  	_ =	shalt  }
0x53: {  	_ =	shalt  }
0x54: {  	_ =	shalt  }
0x55: {  	_ =	shalt  }
0x56: {  	_ =	shalt  }
0x57: {  	_ =	shalt  }
0x58: {  	_ =	shalt  }
0x59: {  	_ =	shalt  }
0x5a: {  	_ =	shalt  }
0x5b: {  	_ =	shalt  }
0x5c: {  	_ =	shalt  }
0x5d: {  	_ =	shalt  }
0x5e: {  	_ =	shalt  }
0x5f: {  	_ =	shalt  }
0x60: {  	_ =	shalt  }
0x61: {  	_ =	shalt  }
0x62: {  	_ =	shalt  }
0x63: {  	_ =	shalt  }
0x64: {  	_ =	shalt  }
0x65: {  	_ =	shalt  }
0x66: {  	_ =	shalt  }
0x67: {  	_ =	shalt  }
0x68: {  	_ =	shalt  }
0x69: {  	_ =	shalt  }
0x6a: {  	_ =	shalt  }
0x6b: {  	_ =	shalt  }
0x6c: {  	_ =	shalt  }
0x6d: {  	_ =	shalt  }
0x6e: {  	_ =	shalt  }
0x6f: {  	_ =	shalt  }
0x70: {  	_ =	shalt  }
0x71: {  	_ =	shalt  }
0x72: {  	_ =	shalt  }
0x73: {  	_ =	shalt  }
0x74: {  	_ =	shalt  }
0x75: {  	_ =	shalt  }
0x76: {  	_ =	shalt  }
0x77: {  	_ =	shalt  }
0x78: {  	_ =	shalt  }
0x79: {  	_ =	shalt  }
0x7a: {  	_ =	shalt  }
0x7b: {  	_ =	shalt  }
0x7c: {  	_ =	shalt  }
0x7d: {  	_ =	shalt  }
0x7e: {  	_ =	shalt  }
0x7f: {  	_ =	shalt  }
0x80: {  	_ =	shalt  }
0x81: {  	_ =	shalt  }
0x82: {  	_ =	shalt  }
0x83: {  	_ =	shalt  }
0x84: {  	_ =	shalt  }
0x85: {  	_ =	shalt  }
0x86: {  	_ =	shalt  }
0x87: {  	_ =	shalt  }
.Lfunc_end0:
.L_simem_size_0:
called_computation.1_lowered:
.L_overlay_start_0:
0x88: {  	s2 =	sld [smem:$0x3FD9]  }
0x89: {  	s3 =	sld [smem:$0x3FFE];
	_ =	sdelay $0x1  }
0x8a: {  	s1 =	srdreg.scid  }
0x8b: {  	s0 =	sand.u32 $0x1, s1  }
0x8c: {  	s16 =	sshll.u32 s0, $0xA;
	s2 =	sadd.s32 s3, s2  }
0x8d: {  	s2 =	sadd.s32 s2, s16  }
0x8e: {  	[smem:$0x3FB0] =	sst s2  }
0x8f: {  	_ = 	snop  }
0x90: {  	(tm) =	ssettm $0x1  }
0x91: {  	s17 =	sld [smem:$0x3FFB];
	_ =	sdelay $0x3  }
0x92: {  	_ =	strace s17  }
0x93: {  	s2 =	sld [smem:$0x3FFC];
	_ =	sdelay $0x3  }
0x94: {  	_ =	strace s2  }
0x95: {  	s2 =	sld [smem:$0x3FFD];
	_ =	sdelay $0x3  }
0x96: {  	_ =	strace s2  }
0x97: {  	_ =	strace $0x8FFFFFFF  }
0x98: {  	s18 =	sld [smem:$0x3FDB];
	_ =	sdelay $0x1  }
0x99: {  	s19 =	simm.s32 $_scs_section_size  }
0x9a: {  	s4 =	simm.s32 $_size__tile_overlayer_lowered;
	s5 =	simm.s32 $_tile_overlayer_lowered  }
0x9b: {  	s22 =	simm.s32 $0x1BFF;
	s21 =	sshll.u32 s5, $0x1;
	s2 =	sadd.s32 s19, s18  }
0x9c: {  	s6 =	simm.s32 $0x0;
	s20 =	sshll.u32 s4, $0x1;
	s4 =	sadd.s32 s21, s2  }
0x9d: {  	[timem:s6], [sflag:s22] =	dma.local [hbm:s4], s20  }
0x9e: {  	_ =	swait.ge [sflag:s22], s20  }
0x9f: {  	s3 =	ssub.s32 $0x0, s20;
	[sflag:s22] =	ssyncset.done $0x0  }
0xa0: {  	[sflag:s22] =	ssyncadd.s32 s3;
	_ =	sdelay $0x1  }
0xa1: {  	s23 =	simm.s32 $0x1B8B  }
0xa2: {  	_ =	swait.ge [sflag:s23], $0x1  }
0xa3: {  	[sflag:s23] =	ssyncset.done $0x0  }
0xa4: {  	s25 =	simm.s32 $0x1B8E;
	s24 =	sld [smem:$0x3FFE];
	[sflag:s23] =	ssyncadd.s32 $0xFFFFFFFF  }
0xa5: {  	s26 =	simm.s32 $execute0_lowered;
	[smem:$0x3FD2] =	sst s25  }
0xa6: {  	s4 =	sshll.u32 s26, $0x1;
	_ =	strace $0x80000049;
	[dreg:$0x1] =	wrdreg $0xFFFFFFFF  }
0xa7: {  	s28 =	simm.s32 $_size_execute0_lowered;
	s2 =	sadd.s32 s2, s4;
	[dreg:$0x0] =	wrdreg $0x0  }
0xa8: {  	s4 =	sshll.u32 s28, $0x1;
	[dreg:$0x2] =	wrdreg s2  }
0xa9: {  	[dreg:$0x3] =	wrdreg s4  }
0xaa: {  	[dreg:$0x4] =	wrdreg $0xC0  }
0xab: {  	_ =	task [dreg:s6], $0x5FFFF  }
0xac: {  	[dreg:$0x1] =	wrdreg $0xFFFFFFFF  }
0xad: {  	[dreg:$0x0] =	wrdreg $0x60  }
0xae: {  	[dreg:$0x2] =	wrdreg s24  }
0xaf: {  	[dreg:$0x3] =	wrdreg $0xB8000  }
0xb0: {  	[dreg:$0x4] =	wrdreg $0x9  }
0xb1: {  	_ =	task.clear_ibuf [dreg:s6], $0x5FFFF;
	_ =	strace $0x90000049  }
0xb2: {  	s29 =	simm.s32 $0x9;
	_ =	strace $0x8000004B  }
0xb3: {  	_ =	swait.ge [sflag:s29], $0x1  }
0xb4: {  	[sflag:s29] =	ssyncadd.s32 $0xFFFFFFFF  }
0xb5: {  	_ =	strace $0x9000004B  }
0xb6: {  	_ =	sfence  }
0xb7: {  	s30 =	sld [smem:$0x0];
	_ =	sdelay $0x2  }
0xb8: {  	s31 =	sshll.u32 s1, $0xD;
	s1 =	sshrl.u32 s1, $0x2  }
0xb9: {  	s3 =	sand.u32 $0x4000, s31;
	s1 =	sadd.s32 s1, s30  }
0xba: {  	s0 =	sor.u32 s3, s0;
	s1 =	sshll.u32 s1, $0x11  }
0xbb: {  	s0 =	sor.u32 s1, s0  }
0xbc: {  	s0 =	sadd.s32 $0x8F2B, s0  }
0xbd: {  	[sflag:s0] =	ssyncadd.remote.s32 $0x1  }
0xbe: {  	_ =	sfence.sel $0xFFFF  }
0xbf: {  	[dreg:$0x0] =	wrdreg $0xFFFFFFFF;
	(pc) =	sbr.abs _section_cstart, $3  }
0xc0: {  	[dreg:$0x1] =	wrdreg $0xFFFFFFFF  }
0xc1: {  	_ =	task.clear_ibuf [dreg:s6], $0x2FFFF;
	_ =	strace $0x9FFFFFFF  }
0xc2: {  	(tm) =	ssettm $0x7FFFFFFF  }
0xc3: {  	_ =	shalt  }
tec
execute0_lowered:
.L_overlay_start_1:
0x0: {  	(tag) =	ssettag $0x1  }
0x1: {  	s1 =	srdreg.scid;
	s6 =	rddreg [dreg:$0x0]  }
0x2: {  	s0 =	stileid.u32;
	s2 =	rddreg [dreg:$0x1];
	s3 =	simm.s32 $0x0  }
0x3: {  	s17 =	simm.s32 $0x50;
	s18 =	simm.s32 $0x1800;
	s20 =	simm.s32 $0x4000  }
0x4: {  	s21 =	simm.s32 $0x200;
	s22 =	simm.s32 $0x6800;
	s23 =	simm.s32 $0x300  }
0x5: {  	s24 =	simm.s32 $0x9000;
	s5 =	sand.u32 $0x1, s1;
	s4 =	smul.u32 $0x280, s0  }
0x6: {  	[smem:$0x7FF] =	sst s3;
	s14 =	smul.u32 $0x12C00, s0;
	s15 =	sadd.s32 $0xEAE00, s6  }
0x7: {  	s26 =	sshll.u32 s0, $0x6;
	s10 =	smul.u32 $0x2710, s5;
	_ =	strace $0x8000004A  }
0x8: {  	s9 =	ssub.s32 $0x2, s5;
	s12 =	smul.u32 $0x12C000, s5;
	s5 =	sadd.s32 $0x3A00, s6  }
0x9: {  	s8 =	smin.u32 s4, $0x2490;
	s4 =	sadd.s32 $0x4EA00, s6;
	s13 =	sshrl.u32 s9, $0x1  }
0xa: {  	s7 =	sadd.s32 s10, s8;
	s16 =	ssub.s32 s9, s13;
	s25 =	sshll.u32 s8, $0x7  }
0xb: {  	s12 =	sadd.s32 s14, s12;
	s29 =	sadd.s32 $0x140, s8;
	s8 =	sor.u32 $0x1C07, s26  }
0xc: {  	s11 =	sshll.u32 s7, $0x4;
	s28 =	sshrl.u32 s12, $0x3;
	s30 =	sadd.s32 s10, s29  }
.Ltmp0:
0xd: {  	s10 =	sadd.s32 $0xC00, s12;
	s31 =	sshll.u32 s29, $0x7;
	(pc) =	sbr.rel .LBB2_1-.Ltmp0, $4  }
0xe: {  	s14 =	smax.u32 s16, $0x1;
	s16 =	simm.s32 $0x7;
	s7 =	sadd.s32 s11, s6  }
0xf: {  	s6 =	sadd.s32 s25, s2;
	s9 =	sadd.s32 s5, s28;
	s13 =	sshll.u32 s30, $0x4  }
0x10: {  	s11 =	sadd.s32 s15, s11;
	s12 =	sadd.s32 s31, s2;
	s25 =	simm.s32 $0x0  }
0x11: {  	s7 =	sadd.s32 $0x9CC00, s7;
	s13 =	sadd.s32 s15, s13;
	s15 =	sshrl.u32 s6, $0x3  }
.LBB2_7:
0x12: {  	[bflag:$0x0] =	sbarrier.arrive $0xFFFF  }
0x13: {  	[tilespmem:s18], [sflag:$0x7] =	stream.linear.gather [spmem:s6], $0xA000, $0x38;
	[tilespmem:$0x1F080] =	vst v63  }
0x14: {  	_ =	swait.ge [sflag:s16], $0xA000  }
0x15: {  	[sflag:s16] =	ssyncset.done $0x0  }
0x16: {  	[sflag:s16] =	ssyncadd.s32 $0xFFFF6000  }
0x17: {  	[hbm4b:s11+s3] =	stream.linear.scatter [tilespmem:s18], [sflag:$0x7], $0xA000, $0x38;
	[tilespmem:$0x1F080] =	vst v63  }
0x18: {  	_ =	swait.ge [sflag:s16], $0xA000  }
0x19: {  	[sflag:s16] =	ssyncset.done $0x0  }
0x1a: {  	[sflag:s16] =	ssyncadd.s32 $0xFFFF6000  }
0x1b: {  	[tilespmem:s18], [sflag:$0x7] =	stream.linear.gather [spmem:s12], $0xA000, $0x38;
	[tilespmem:$0x1F080] =	vst v63  }
0x1c: {  	s25 =	sadd.s32 $0x1, s25;
	_ =	swait.ge [sflag:s16], $0xA000  }
0x1d: {  	p0 =	sne.s32 s25, s14;
	[sflag:s16] =	ssyncset.done $0x0  }
.Ltmp1:
0x1e: {  	[sflag:s16] =	ssyncadd.s32 $0xFFFF6000;
	(pc) =	sbr.rel @!p0 .LBB2_8-.Ltmp1, $4  }
0x1f: {  	[hbm4b:s13+s3] =	stream.linear.scatter [tilespmem:s18], [sflag:$0x7], $0xA000, $0x38;
	[tilespmem:$0x1F080] =	vst v63  }
0x20: {  	_ =	swait.ge [sflag:s16], $0xA000  }
0x21: {  	[sflag:s16] =	ssyncset.done $0x0  }
0x22: {  	[sflag:s16] =	ssyncadd.s32 $0xFFFF6000  }
.LBB2_1:
0x23: {  	[spmem:s15], [sflag:s8] =	dma.local [hbm:s7], $0x2800  }
0x24: {  	_ =	swait.ge [sflag:s16], $0x2800  }
0x25: {  	[sflag:s16] =	ssyncset.done $0x0  }
0x26: {  	[sflag:s16] =	ssyncadd.s32 $0xFFFFD800  }
0x27: {  	[tilespmem:s3], [sflag:$0x7] =	stream.linear.gather [hbm4b:s9+s3], $0xA00, $0x38;
	[tilespmem:$0x1F080] =	vst v63  }
0x28: {  	_ =	swait.ge [sflag:s16], $0xA00  }
0x29: {  	[sflag:s16] =	ssyncset.done $0x0  }
0x2a: {  	[sflag:s16] =	ssyncadd.s32 $0xFFFFF600  }
0x2b: {  	[bflag:$0x0] =	sbarrier.arrive $0xFFFF  }
0x2c: {  	[tilespmem:s18], [sflag:$0x1] =	stream.indirect.gather [hbm4b:s4+s17], $0x80, s3, s17, $0xb8;
	[tilespmem:$0x1F080] =	vst v63  }
0x2d: {  	s0 =	simm.s32 $0x100  }
0x2e: {  	[tilespmem:s20], [sflag:$0x2] =	stream.indirect.gather [hbm4b:s4+s17], $0x80, s0, s17, $0xb8;
	[tilespmem:$0x1F080] =	vst v63  }
.Ltmp2:
0x2f: {  	_ = 	snop;
	(pc) =	sbr.rel .LBB2_2-.Ltmp2, $4  }
0x30: {  	_ = 	snop  }
0x31: {  	[tilespmem:s22], [sflag:$0x3] =	stream.indirect.gather [hbm4b:s4+s17], $0x80, s21, s17, $0xb8;
	[tilespmem:$0x1F080] =	vst v63  }
0x32: {  	s26 =	simm.s32 $0x0  }
0x33: {  	[tilespmem:s24], [sflag:$0x4] =	stream.indirect.gather [hbm4b:s4+s17], $0x80, s23, s17, $0xb8;
	[tilespmem:$0x1F080] =	vst v63  }
.LBB2_3:
0x34: {  	s0 =	sxor.u32 $0x1, s30  }
0x35: {  	s0 =	sadd.s32 $0x5, s0  }
0x36: {  	_ =	swait.ge [sflag:s0], $0xA00  }
0x37: {  	[sflag:s0] =	ssyncset.done $0x0  }
0x38: {  	[sflag:s0] =	ssyncadd.s32 $0xFFFFF600  }
.LBB2_5:
0x39: {  	s0 =	sadd.s32 $0x4, s26  }
0x3a: {  	s1 =	sand.u32 $0xFF, s0  }
0x3b: {  	s1 =	smul.u32 $0xCD, s1;
	_ =	sdelay $0x1  }
0x3c: {  	s1 =	sshrl.u32 s1, $0xB  }
0x3d: {  	s19 =	smul.u32 $0xA, s1;
	_ =	sdelay $0x1  }
0x3e: {  	s1 =	sand.u32 $0x1, s1;
	s0 =	ssub.s32 s0, s19  }
0x3f: {  	p0 =	seq.s32 s1, $0x1;
	s1 =	simm.s32 $0xC00;
	s0 =	sand.u32 $0xFF, s0  }
0x40: {  	s1 =	simm.s32 @!p0 $0x0;
	s0 =	sshll.u32 s0, $0x8  }
0x41: {  	s0 =	sadd.s32 s0, s1  }
0x42: {  	[tilespmem:s29], [sflag:s28] =	stream.indirect.gather [hbm4b:s4+s17], $0x80, s0, s17, $0xb8;
	[tilespmem:$0x1F080] =	vst v63  }
.LBB2_6:
0x43: {  	s26 =	sadd.s32 $0x1, s26  }
0x44: {  	p0 =	sne.s32 s26, $0xFA  }
.Ltmp3:
0x45: {  	_ = 	snop;
	(pc) =	sbr.rel @!p0 .LBB2_7-.Ltmp3, $1  }
0x46: {  	_ =	sdelay $0x3  }
.LBB2_2:
0x47: {  	s28 =	smul.u32 $0xCD, s26;
	_ =	sdelay $0x1  }
0x48: {  	s28 =	sshrl.u32 s28, $0xB  }
0x49: {  	s29 =	sand.u32 $0x1F, s28  }
0x4a: {  	s30 =	smul.u32 $0xA, s29;
	_ =	sdelay $0x1  }
0x4b: {  	p0 =	sgt.u32 s26, $0xEF;
	s31 =	ssub.s32 s26, s30  }
0x4c: {  	s1 =	sand.u32 @!p0 $0xFF, s31  }
0x4d: {  	p1 =	sne.s32 @!p0 s1, $0x0  }
0x4e: {  	p1 =	por p1, p0  }
0x4f: {  	s30 =	sand.u32 $0x1, s28;
	s28 =	smul.u32 @!p1 $0xC00, s29  }
0x50: {  	s29 =	sxor.u32 @!p1 $0x1, s30  }
0x51: {  	s0 =	smul.u32 @!p1 $0x3000, s29;
	s28 =	sadd.s32 @!p1 s28, s10  }
0x52: {  	s19 =	simm.s32 @!p1 $0x0;
	s28 =	sshrl.u32 @!p1 s28, $0x3  }
0x53: {  	s29 =	sadd.s32 @!p1 $0x5, s29;
	s0 =	sshrl.u32 @!p1 s0, $0x2;
	s28 =	sadd.s32 @!p1 s5, s28  }
0x54: {  	[tilespmem:s0], [sflag:s29] =	stream.linear.gather @!p1 [hbm4b:s28+s19], $0xA00, $0x38;
	[tilespmem:$0x1F080] =	vst v63  }
0x55: {  	s0 =	sand.u32 $0x3, s26;
	s19 =	smul.u32 $0x3000, s30;
	s29 =	sand.u32 $0xFF, s31  }
0x56: {  	p1 =	sne.s32 @!p0 s1, $0x6;
	s31 =	smul.u32 $0xA000, s0;
	s28 =	sadd.s32 $0x1, s0  }
0x57: {  	p0 =	por p0, p1;
	_ =	swait.ge [sflag:s28], $0x2800  }
0x58: {  	s0 =	sshrl.u32 s19, $0x2;
	s19 =	sshll.u32 s29, $0x8;
	s29 =	sshrl.u32 s31, $0x2  }
0x59: {  	[sflag:s28] =	ssyncset.done $0x0;
	s0 =	sadd.s32 s19, s0;
	s29 =	sadd.s32 $0x1800, s29  }
.Ltmp4:
0x5a: {  	[sflag:s28] =	ssyncadd.s32 $0xFFFFD800;
	s0 =	sor.u32 $0x80, s0;
	(pc) =	sbr.rel @!p0 .LBB2_3-.Ltmp4, $4  }
0x5b: {  	[spmem:s2] =	stream.indirect.scatter.add.f32 [tilespmem:s29], [sflag:$0x7], $0x80, s0, s17, $0xb8;
	[tilespmem:$0x1F080] =	vst v63  }
0x5c: {  	_ =	swait.ge [sflag:s16], $0x2800  }
0x5d: {  	[sflag:s16] =	ssyncset.done $0x0  }
0x5e: {  	[sflag:s16] =	ssyncadd.s32 $0xFFFFD800  }
0x5f: {  	p0 =	sgt.u32 s26, $0xF5  }
.Ltmp5:
0x60: {  	_ = 	snop;
	(pc) =	sbr.rel @p0 .LBB2_6-.Ltmp5, $4  }
.Ltmp6:
0x61: {  	_ = 	snop;
	(pc) =	sbr.rel @!p0 .LBB2_5-.Ltmp6, $4  }
0x62: {  	_ = 	snop  }
0x63: {  	_ = 	snop  }
0x64: {  	_ = 	snop  }
0x65: {  	_ = 	snop  }
.LBB2_8:
0x66: {  	_ =	sfence.sel $0x180000  }
0x67: {  	[bflag:$0x0] =	sbarrier.arrive $0xFFFF  }
0x68: {  	_ =	strace $0x9000004A  }
0x69: {  	s0 =	stileid.u32;
	[bflag:$0x2] =	sbarrier.arrive $0xFFFF  }
0x6a: {  	p0 =	sne.s32 s0, $0x0;
	s0 =	rddreg [dreg:$0x2]  }
0x6b: {  	s0 =	sadd.s32 @!p0 $0x100000, s0  }
0x6c: {  	[sflag:s0] =	ssyncadd.tile.s32 @!p0 $0x1;
	_ =	shalt  }
.Lfunc_end2:
_tile_overlayer_lowered:
.L_overlay_start_2:
0x6d: {  	(tag) =	ssettag $0x2  }
0x6e: {  	s0 =	rddreg [dreg:$0x0];
	s2 =	stileid.u32  }
0x6f: {  	s1 =	rddreg [dreg:$0x1];
	p0 =	sne.s32 s2, $0x0  }
0x70: {  	s3 =	rddreg [dreg:$0x2];
	[bflag:$0x3] =	sbarrier.arrive $0xFFFF;
	s2 =	simm.s32 @!p0 $0x1C07  }
0x71: {  	[timem:s3], [sflag:s2] =	dma.local @!p0 [hbm:s0], s1  }
0x72: {  	s0 =	simm.s32 @!p0 $0x7  }
0x73: {  	_ =	swait.ge @!p0 [sflag:s0], s1  }
0x74: {  	s1 =	ssub.s32 @!p0 $0x0, s1;
	[sflag:s0] =	ssyncset.done @!p0 $0x0  }
0x75: {  	[sflag:s0] =	ssyncadd.s32 @!p0 s1  }
0x76: {  	[bflag:$0x3] =	sbarrier.arrive $0xFFFF  }
0x77: {  	_ =	shalt  }

// kernel: kernel.7.cloned.1.call-start
scs
__scs_entry_jumppad:
0x0: {  	(pc) =	sbr.rel $0x88, $3  }
0x1: {  	(tag) =	ssettag $0x0;
	lr =	simm.s32 $0x1  }
0x2: {  	[smem:$0x3F89] =	sst lr;
	_ =	strace $0xD0000000  }
0x3: {  	_ = 	snop  }
0x4: {  	_ = 	snop  }
0x5: {  	_ = 	snop  }
0x6: {  	_ = 	snop  }
0x7: {  	_ = 	snop  }
__scs_overlays_trampoline_lowered:
0x8: {  	[smem:$0x3F98] =	sst s0  }
0x9: {  	[smem:$0x3F99] =	sst s1  }
0xa: {  	[smem:$0x3F9A] =	sst s2  }
0xb: {  	[smem:$0x3F9B] =	sst s3  }
0xc: {  	[smem:$0x3F9C] =	sst s4  }
0xd: {  	[smem:$0x3F9D] =	sst s5  }
0xe: {  	[smem:$0x3F9E] =	sst s6  }
0xf: {  	[smem:$0x3F9F] =	sst s7  }
0x10: {  	[smem:$0x3FA0] =	sst s8  }
0x11: {  	[smem:$0x3FA1] =	sst s9;
	s0 =	simm.s32 @!p0 $0x0  }
0x12: {  	s1 =	sld [smem:$0x3F87];
	s0 =	simm.s32 @p0 $0x1  }
0x13: {  	[smem:$0x3FA2] =	sst s0;
	s0 =	simm.s32 @!p1 $0x0  }
0x14: {  	s2 =	sld [smem:$0x3F86];
	s0 =	simm.s32 @p1 $0x1  }
0x15: {  	[smem:$0x3FA3] =	sst s0;
	s0 =	simm.s32 @!p2 $0x0  }
0x16: {  	s3 =	sld [smem:$0x3FDB];
	s0 =	simm.s32 @p2 $0x1  }
0x17: {  	s4 =	simm.s32 $0x1BF5;
	[smem:$0x3FA5] =	sst s0  }
0x18: {  	s0 =	sld [smem:$0x3F88];
	_ =	swait.ge [sflag:s4], $0x0  }
0x19: {  	s7 =	sld [smem:$0x3F89]  }
0x1a: {  	s8 =	sadd.s32 $0xFFFFE003, lr  }
0x1b: {  	s9 =	sadd.s32 $0xFFFFFEF7, lr;
	s5 =	simm.s32 $0xFFFFFFFF;
	p2 =	slt.u32 s8, $0xFFFFF086  }
0x1c: {  	p1 =	slt.u32 s9, $0xF7A;
	s5 =	simm.s32 @!p2 $0x0  }
0x1d: {  	s5 =	simm.s32 @p1 $0x1;
	p0 =	seq.s32 s7, s2  }
0x1e: {  	s7 =	smul.u32 @!p0 $0xF7A, s2;
	p2 =	seq.s32 @!p0 s5, $0x0  }
0x1f: {  	s9 =	smul.u32 $0xF7A, s1;
	s8 =	simm.s32 @!p0 $0x1BF5;
	p2 =	por !p2, p0  }
0x20: {  	[sflag:s8] =	ssyncset.s32 @!p0 $0xFFFFF086;
	s6 =	sadd.s32 @!p0 s3, s7;
	s7 =	simm.s32 @!p0 $0x108  }
0x21: {  	s3 =	sadd.s32 s3, s9;
	s6 =	sadd.s32 @!p0 $0x88, s6;
	s7 =	simm.s32 @p2 $0x1082  }
0x22: {  	[simem:s7], [sflag:s8] =	dma.local @!p0 [hbm:s6], $0xF7A  }
0x23: {  	s9 =	sor.u32 $0xD0000000, s2;
	s6 =	simm.s32 $0x108;
	_ =	swait.ge @!p0 [sflag:s8], $0x0  }
0x24: {  	s3 =	sadd.s32 $0x88, s3;
	s6 =	simm.s32 @!p1 $0x1082;
	[sflag:s4] =	ssyncset.s32 $0xFFFFF086  }
0x25: {  	[simem:s6], [sflag:s4] =	dma.local [hbm:s3], $0xF7A  }
0x26: {  	[smem:$0x3F89] =	sst s1;
	(tag) =	ssettag s2;
	_ =	strace s9  }
0x27: {  	s1 =	sld [smem:$0x3F99]  }
0x28: {  	s2 =	sld [smem:$0x3F9A]  }
0x29: {  	s4 =	sld [smem:$0x3F9C]  }
0x2a: {  	p0 =	seq.s32 s5, $0x0;
	s5 =	sld [smem:$0x3F9D]  }
0x2b: {  	s6 =	sld [smem:$0x3F9E]  }
0x2c: {  	s7 =	sld [smem:$0x3F9F]  }
0x2d: {  	s3 =	simm.s32 $0x108;
	s8 =	sld [smem:$0x3FA0]  }
0x2e: {  	s3 =	simm.s32 @!p0 $0x1082;
	s9 =	sld [smem:$0x3FA1]  }
0x2f: {  	lr =	sadd.s32 s0, s3;
	s0 =	sld [smem:$0x3F98]  }
0x30: {  	s3 =	sld [smem:$0x3F9B]  }
0x31: {  	[smem:$0x3FA4] =	sst s10  }
0x32: {  	s10 =	sld [smem:$0x3FA2];
	_ =	sdelay $0x3  }
0x33: {  	p0 =	seq.s32 s10, $0x1;
	s10 =	sld [smem:$0x3FA4];
	_ =	sdelay $0x3  }
0x34: {  	[smem:$0x3FA4] =	sst s10  }
0x35: {  	s10 =	sld [smem:$0x3FA3];
	_ =	sdelay $0x3  }
0x36: {  	p1 =	seq.s32 s10, $0x1;
	s10 =	sld [smem:$0x3FA4];
	_ =	sdelay $0x3  }
0x37: {  	[smem:$0x3FA4] =	sst s10  }
0x38: {  	s10 =	sld [smem:$0x3FA5]  }
0x39: {  	_ = 	snop;
	(pc) =	sbr.ind lr, $3  }
0x3a: {  	_ = 	snop  }
0x3b: {  	_ = 	snop  }
0x3c: {  	p2 =	seq.s32 s10, $0x1;
	s10 =	sld [smem:$0x3FA4]  }
0x3d: {  	_ =	shalt  }
0x3e: {  	_ =	shalt  }
0x3f: {  	_ =	shalt  }
0x40: {  	_ =	shalt  }
0x41: {  	_ =	shalt  }
0x42: {  	_ =	shalt  }
0x43: {  	_ =	shalt  }
0x44: {  	_ =	shalt  }
0x45: {  	_ =	shalt  }
0x46: {  	_ =	shalt  }
0x47: {  	_ =	shalt  }
0x48: {  	_ =	shalt  }
0x49: {  	_ =	shalt  }
0x4a: {  	_ =	shalt  }
0x4b: {  	_ =	shalt  }
0x4c: {  	_ =	shalt  }
0x4d: {  	_ =	shalt  }
0x4e: {  	_ =	shalt  }
0x4f: {  	_ =	shalt  }
0x50: {  	_ =	shalt  }
0x51: {  	_ =	shalt  }
0x52: {  	_ =	shalt  }
0x53: {  	_ =	shalt  }
0x54: {  	_ =	shalt  }
0x55: {  	_ =	shalt  }
0x56: {  	_ =	shalt  }
0x57: {  	_ =	shalt  }
0x58: {  	_ =	shalt  }
0x59: {  	_ =	shalt  }
0x5a: {  	_ =	shalt  }
0x5b: {  	_ =	shalt  }
0x5c: {  	_ =	shalt  }
0x5d: {  	_ =	shalt  }
0x5e: {  	_ =	shalt  }
0x5f: {  	_ =	shalt  }
0x60: {  	_ =	shalt  }
0x61: {  	_ =	shalt  }
0x62: {  	_ =	shalt  }
0x63: {  	_ =	shalt  }
0x64: {  	_ =	shalt  }
0x65: {  	_ =	shalt  }
0x66: {  	_ =	shalt  }
0x67: {  	_ =	shalt  }
0x68: {  	_ =	shalt  }
0x69: {  	_ =	shalt  }
0x6a: {  	_ =	shalt  }
0x6b: {  	_ =	shalt  }
0x6c: {  	_ =	shalt  }
0x6d: {  	_ =	shalt  }
0x6e: {  	_ =	shalt  }
0x6f: {  	_ =	shalt  }
0x70: {  	_ =	shalt  }
0x71: {  	_ =	shalt  }
0x72: {  	_ =	shalt  }
0x73: {  	_ =	shalt  }
0x74: {  	_ =	shalt  }
0x75: {  	_ =	shalt  }
0x76: {  	_ =	shalt  }
0x77: {  	_ =	shalt  }
0x78: {  	_ =	shalt  }
0x79: {  	_ =	shalt  }
0x7a: {  	_ =	shalt  }
0x7b: {  	_ =	shalt  }
0x7c: {  	_ =	shalt  }
0x7d: {  	_ =	shalt  }
0x7e: {  	_ =	shalt  }
0x7f: {  	_ =	shalt  }
0x80: {  	_ =	shalt  }
0x81: {  	_ =	shalt  }
0x82: {  	_ =	shalt  }
0x83: {  	_ =	shalt  }
0x84: {  	_ =	shalt  }
0x85: {  	_ =	shalt  }
0x86: {  	_ =	shalt  }
0x87: {  	_ =	shalt  }
.Lfunc_end0:
.L_simem_size_0:
called_computation_lowered:
.L_overlay_start_0:
0x88: {  	s2 =	sld [smem:$0x3FD9]  }
0x89: {  	s3 =	sld [smem:$0x3FFE];
	_ =	sdelay $0x1  }
0x8a: {  	s1 =	srdreg.scid  }
0x8b: {  	s0 =	sand.u32 $0x1, s1  }
0x8c: {  	s16 =	sshll.u32 s0, $0xA;
	s2 =	sadd.s32 s3, s2  }
0x8d: {  	s2 =	sadd.s32 s2, s16  }
0x8e: {  	[smem:$0x3FB0] =	sst s2  }
0x8f: {  	_ = 	snop  }
0x90: {  	(tm) =	ssettm $0x1  }
0x91: {  	s17 =	sld [smem:$0x3FFB];
	_ =	sdelay $0x3  }
0x92: {  	_ =	strace s17  }
0x93: {  	s2 =	sld [smem:$0x3FFC];
	_ =	sdelay $0x3  }
0x94: {  	_ =	strace s2  }
0x95: {  	s2 =	sld [smem:$0x3FFD];
	_ =	sdelay $0x3  }
0x96: {  	_ =	strace s2  }
0x97: {  	_ =	strace $0x8FFFFFFF  }
0x98: {  	s18 =	sld [smem:$0x3FDB];
	_ =	sdelay $0x1  }
0x99: {  	s19 =	simm.s32 $_scs_section_size  }
0x9a: {  	s4 =	simm.s32 $_size__tile_overlayer_lowered;
	s5 =	simm.s32 $_tile_overlayer_lowered  }
0x9b: {  	s22 =	simm.s32 $0x1BFF;
	s21 =	sshll.u32 s5, $0x1;
	s2 =	sadd.s32 s19, s18  }
0x9c: {  	s6 =	simm.s32 $0x0;
	s20 =	sshll.u32 s4, $0x1;
	s4 =	sadd.s32 s21, s2  }
0x9d: {  	[timem:s6], [sflag:s22] =	dma.local [hbm:s4], s20  }
0x9e: {  	_ =	swait.ge [sflag:s22], s20  }
0x9f: {  	s3 =	ssub.s32 $0x0, s20;
	[sflag:s22] =	ssyncset.done $0x0  }
0xa0: {  	[sflag:s22] =	ssyncadd.s32 s3;
	_ =	sdelay $0x1  }
0xa1: {  	s23 =	simm.s32 $0x1B8B  }
0xa2: {  	_ =	swait.ge [sflag:s23], $0x1  }
0xa3: {  	[sflag:s23] =	ssyncset.done $0x0  }
0xa4: {  	s25 =	simm.s32 $0x1B8E;
	s24 =	sld [smem:$0x3FFE];
	[sflag:s23] =	ssyncadd.s32 $0xFFFFFFFF  }
0xa5: {  	s26 =	simm.s32 $execute0_lowered;
	[smem:$0x3FD2] =	sst s25  }
0xa6: {  	s4 =	sshll.u32 s26, $0x1;
	_ =	strace $0x80000046;
	[dreg:$0x1] =	wrdreg $0xFFFFFFFF  }
0xa7: {  	s28 =	simm.s32 $_size_execute0_lowered;
	s2 =	sadd.s32 s2, s4;
	[dreg:$0x0] =	wrdreg $0x0  }
0xa8: {  	s4 =	sshll.u32 s28, $0x1;
	[dreg:$0x2] =	wrdreg s2  }
0xa9: {  	[dreg:$0x3] =	wrdreg s4  }
0xaa: {  	[dreg:$0x4] =	wrdreg $0xC0  }
0xab: {  	_ =	task [dreg:s6], $0x5FFFF  }
0xac: {  	[dreg:$0x1] =	wrdreg $0xFFFFFFFF  }
0xad: {  	[dreg:$0x0] =	wrdreg $0x60  }
0xae: {  	[dreg:$0x2] =	wrdreg s24  }
0xaf: {  	[dreg:$0x3] =	wrdreg $0xB8000  }
0xb0: {  	[dreg:$0x4] =	wrdreg $0x9  }
0xb1: {  	_ =	task.clear_ibuf [dreg:s6], $0x5FFFF;
	_ =	strace $0x90000046  }
0xb2: {  	s29 =	simm.s32 $0x9;
	_ =	strace $0x80000048  }
0xb3: {  	_ =	swait.ge [sflag:s29], $0x1  }
0xb4: {  	[sflag:s29] =	ssyncadd.s32 $0xFFFFFFFF  }
0xb5: {  	_ =	strace $0x90000048  }
0xb6: {  	_ =	sfence  }
0xb7: {  	s30 =	sld [smem:$0x0];
	_ =	sdelay $0x2  }
0xb8: {  	s31 =	sshll.u32 s1, $0xD;
	s1 =	sshrl.u32 s1, $0x2  }
0xb9: {  	s3 =	sand.u32 $0x4000, s31;
	s1 =	sadd.s32 s1, s30  }
0xba: {  	s0 =	sor.u32 s3, s0;
	s1 =	sshll.u32 s1, $0x11  }
0xbb: {  	s0 =	sor.u32 s1, s0  }
0xbc: {  	s0 =	sadd.s32 $0x8F2B, s0  }
0xbd: {  	[sflag:s0] =	ssyncadd.remote.s32 $0x1  }
0xbe: {  	_ =	sfence.sel $0xFFFF  }
0xbf: {  	[dreg:$0x0] =	wrdreg $0xFFFFFFFF;
	(pc) =	sbr.abs _section_cstart, $3  }
0xc0: {  	[dreg:$0x1] =	wrdreg $0xFFFFFFFF  }
0xc1: {  	_ =	task.clear_ibuf [dreg:s6], $0x2FFFF;
	_ =	strace $0x9FFFFFFF  }
0xc2: {  	(tm) =	ssettm $0x7FFFFFFF  }
0xc3: {  	_ =	shalt  }
tec
execute0_lowered:
.L_overlay_start_1:
0x0: {  	(tag) =	ssettag $0x1  }
0x1: {  	s1 =	srdreg.scid;
	s6 =	rddreg [dreg:$0x0]  }
0x2: {  	s0 =	stileid.u32;
	s2 =	rddreg [dreg:$0x1];
	s3 =	simm.s32 $0x0  }
0x3: {  	s17 =	simm.s32 $0x50;
	s18 =	simm.s32 $0x1800;
	s20 =	simm.s32 $0x4000  }
0x4: {  	s21 =	simm.s32 $0x200;
	s22 =	simm.s32 $0x6800;
	s23 =	simm.s32 $0x300  }
0x5: {  	s24 =	simm.s32 $0x9000;
	s5 =	sand.u32 $0x1, s1;
	s4 =	smul.u32 $0x280, s0  }
0x6: {  	[smem:$0x7FF] =	sst s3;
	s14 =	smul.u32 $0x12C00, s0;
	s15 =	sadd.s32 $0xEAE00, s6  }
0x7: {  	s26 =	sshll.u32 s0, $0x6;
	s10 =	smul.u32 $0x2710, s5;
	_ =	strace $0x80000047  }
0x8: {  	s9 =	ssub.s32 $0x2, s5;
	s12 =	smul.u32 $0x12C000, s5;
	s5 =	sadd.s32 $0x3A00, s6  }
0x9: {  	s8 =	smin.u32 s4, $0x2490;
	s4 =	sadd.s32 $0x4EA00, s6;
	s13 =	sshrl.u32 s9, $0x1  }
0xa: {  	s7 =	sadd.s32 s10, s8;
	s16 =	ssub.s32 s9, s13;
	s25 =	sshll.u32 s8, $0x7  }
0xb: {  	s12 =	sadd.s32 s14, s12;
	s29 =	sadd.s32 $0x140, s8;
	s8 =	sor.u32 $0x1C07, s26  }
0xc: {  	s11 =	sshll.u32 s7, $0x4;
	s28 =	sshrl.u32 s12, $0x3;
	s30 =	sadd.s32 s10, s29  }
.Ltmp0:
0xd: {  	s10 =	sadd.s32 $0xC00, s12;
	s31 =	sshll.u32 s29, $0x7;
	(pc) =	sbr.rel .LBB2_1-.Ltmp0, $4  }
0xe: {  	s14 =	smax.u32 s16, $0x1;
	s16 =	simm.s32 $0x7;
	s7 =	sadd.s32 s11, s6  }
0xf: {  	s6 =	sadd.s32 s25, s2;
	s9 =	sadd.s32 s5, s28;
	s13 =	sshll.u32 s30, $0x4  }
0x10: {  	s11 =	sadd.s32 s15, s11;
	s12 =	sadd.s32 s31, s2;
	s25 =	simm.s32 $0x0  }
0x11: {  	s7 =	sadd.s32 $0x9CC00, s7;
	s13 =	sadd.s32 s15, s13;
	s15 =	sshrl.u32 s6, $0x3  }
.LBB2_7:
0x12: {  	[bflag:$0x0] =	sbarrier.arrive $0xFFFF  }
0x13: {  	[tilespmem:s18], [sflag:$0x7] =	stream.linear.gather [spmem:s6], $0xA000, $0x38;
	[tilespmem:$0x1F080] =	vst v63  }
0x14: {  	_ =	swait.ge [sflag:s16], $0xA000  }
0x15: {  	[sflag:s16] =	ssyncset.done $0x0  }
0x16: {  	[sflag:s16] =	ssyncadd.s32 $0xFFFF6000  }
0x17: {  	[hbm4b:s11+s3] =	stream.linear.scatter [tilespmem:s18], [sflag:$0x7], $0xA000, $0x38;
	[tilespmem:$0x1F080] =	vst v63  }
0x18: {  	_ =	swait.ge [sflag:s16], $0xA000  }
0x19: {  	[sflag:s16] =	ssyncset.done $0x0  }
0x1a: {  	[sflag:s16] =	ssyncadd.s32 $0xFFFF6000  }
0x1b: {  	[tilespmem:s18], [sflag:$0x7] =	stream.linear.gather [spmem:s12], $0xA000, $0x38;
	[tilespmem:$0x1F080] =	vst v63  }
0x1c: {  	s25 =	sadd.s32 $0x1, s25;
	_ =	swait.ge [sflag:s16], $0xA000  }
0x1d: {  	p0 =	sne.s32 s25, s14;
	[sflag:s16] =	ssyncset.done $0x0  }
.Ltmp1:
0x1e: {  	[sflag:s16] =	ssyncadd.s32 $0xFFFF6000;
	(pc) =	sbr.rel @!p0 .LBB2_8-.Ltmp1, $4  }
0x1f: {  	[hbm4b:s13+s3] =	stream.linear.scatter [tilespmem:s18], [sflag:$0x7], $0xA000, $0x38;
	[tilespmem:$0x1F080] =	vst v63  }
0x20: {  	_ =	swait.ge [sflag:s16], $0xA000  }
0x21: {  	[sflag:s16] =	ssyncset.done $0x0  }
0x22: {  	[sflag:s16] =	ssyncadd.s32 $0xFFFF6000  }
.LBB2_1:
0x23: {  	[spmem:s15], [sflag:s8] =	dma.local [hbm:s7], $0x2800  }
0x24: {  	_ =	swait.ge [sflag:s16], $0x2800  }
0x25: {  	[sflag:s16] =	ssyncset.done $0x0  }
0x26: {  	[sflag:s16] =	ssyncadd.s32 $0xFFFFD800  }
0x27: {  	[tilespmem:s3], [sflag:$0x7] =	stream.linear.gather [hbm4b:s9+s3], $0xA00, $0x38;
	[tilespmem:$0x1F080] =	vst v63  }
0x28: {  	_ =	swait.ge [sflag:s16], $0xA00  }
0x29: {  	[sflag:s16] =	ssyncset.done $0x0  }
0x2a: {  	[sflag:s16] =	ssyncadd.s32 $0xFFFFF600  }
0x2b: {  	[bflag:$0x0] =	sbarrier.arrive $0xFFFF  }
0x2c: {  	[tilespmem:s18], [sflag:$0x1] =	stream.indirect.gather [hbm4b:s4+s17], $0x80, s3, s17, $0xb8;
	[tilespmem:$0x1F080] =	vst v63  }
0x2d: {  	s0 =	simm.s32 $0x100  }
0x2e: {  	[tilespmem:s20], [sflag:$0x2] =	stream.indirect.gather [hbm4b:s4+s17], $0x80, s0, s17, $0xb8;
	[tilespmem:$0x1F080] =	vst v63  }
.Ltmp2:
0x2f: {  	_ = 	snop;
	(pc) =	sbr.rel .LBB2_2-.Ltmp2, $4  }
0x30: {  	_ = 	snop  }
0x31: {  	[tilespmem:s22], [sflag:$0x3] =	stream.indirect.gather [hbm4b:s4+s17], $0x80, s21, s17, $0xb8;
	[tilespmem:$0x1F080] =	vst v63  }
0x32: {  	s26 =	simm.s32 $0x0  }
0x33: {  	[tilespmem:s24], [sflag:$0x4] =	stream.indirect.gather [hbm4b:s4+s17], $0x80, s23, s17, $0xb8;
	[tilespmem:$0x1F080] =	vst v63  }
.LBB2_3:
0x34: {  	s0 =	sxor.u32 $0x1, s30  }
0x35: {  	s0 =	sadd.s32 $0x5, s0  }
0x36: {  	_ =	swait.ge [sflag:s0], $0xA00  }
0x37: {  	[sflag:s0] =	ssyncset.done $0x0  }
0x38: {  	[sflag:s0] =	ssyncadd.s32 $0xFFFFF600  }
.LBB2_5:
0x39: {  	s0 =	sadd.s32 $0x4, s26  }
0x3a: {  	s1 =	sand.u32 $0xFF, s0  }
0x3b: {  	s1 =	smul.u32 $0xCD, s1;
	_ =	sdelay $0x1  }
0x3c: {  	s1 =	sshrl.u32 s1, $0xB  }
0x3d: {  	s19 =	smul.u32 $0xA, s1;
	_ =	sdelay $0x1  }
0x3e: {  	s1 =	sand.u32 $0x1, s1;
	s0 =	ssub.s32 s0, s19  }
0x3f: {  	p0 =	seq.s32 s1, $0x1;
	s1 =	simm.s32 $0xC00;
	s0 =	sand.u32 $0xFF, s0  }
0x40: {  	s1 =	simm.s32 @!p0 $0x0;
	s0 =	sshll.u32 s0, $0x8  }
0x41: {  	s0 =	sadd.s32 s0, s1  }
0x42: {  	[tilespmem:s29], [sflag:s28] =	stream.indirect.gather [hbm4b:s4+s17], $0x80, s0, s17, $0xb8;
	[tilespmem:$0x1F080] =	vst v63  }
.LBB2_6:
0x43: {  	s26 =	sadd.s32 $0x1, s26  }
0x44: {  	p0 =	sne.s32 s26, $0xFA  }
.Ltmp3:
0x45: {  	_ = 	snop;
	(pc) =	sbr.rel @!p0 .LBB2_7-.Ltmp3, $1  }
0x46: {  	_ =	sdelay $0x3  }
.LBB2_2:
0x47: {  	s28 =	smul.u32 $0xCD, s26;
	_ =	sdelay $0x1  }
0x48: {  	s28 =	sshrl.u32 s28, $0xB  }
0x49: {  	s29 =	sand.u32 $0x1F, s28  }
0x4a: {  	s30 =	smul.u32 $0xA, s29;
	_ =	sdelay $0x1  }
0x4b: {  	p0 =	sgt.u32 s26, $0xEF;
	s31 =	ssub.s32 s26, s30  }
0x4c: {  	s1 =	sand.u32 @!p0 $0xFF, s31  }
0x4d: {  	p1 =	sne.s32 @!p0 s1, $0x0  }
0x4e: {  	p1 =	por p1, p0  }
0x4f: {  	s30 =	sand.u32 $0x1, s28;
	s28 =	smul.u32 @!p1 $0xC00, s29  }
0x50: {  	s29 =	sxor.u32 @!p1 $0x1, s30  }
0x51: {  	s0 =	smul.u32 @!p1 $0x3000, s29;
	s28 =	sadd.s32 @!p1 s28, s10  }
0x52: {  	s19 =	simm.s32 @!p1 $0x0;
	s28 =	sshrl.u32 @!p1 s28, $0x3  }
0x53: {  	s29 =	sadd.s32 @!p1 $0x5, s29;
	s0 =	sshrl.u32 @!p1 s0, $0x2;
	s28 =	sadd.s32 @!p1 s5, s28  }
0x54: {  	[tilespmem:s0], [sflag:s29] =	stream.linear.gather @!p1 [hbm4b:s28+s19], $0xA00, $0x38;
	[tilespmem:$0x1F080] =	vst v63  }
0x55: {  	s0 =	sand.u32 $0x3, s26;
	s19 =	smul.u32 $0x3000, s30;
	s29 =	sand.u32 $0xFF, s31  }
0x56: {  	p1 =	sne.s32 @!p0 s1, $0x6;
	s31 =	smul.u32 $0xA000, s0;
	s28 =	sadd.s32 $0x1, s0  }
0x57: {  	p0 =	por p0, p1;
	_ =	swait.ge [sflag:s28], $0x2800  }
0x58: {  	s0 =	sshrl.u32 s19, $0x2;
	s19 =	sshll.u32 s29, $0x8;
	s29 =	sshrl.u32 s31, $0x2  }
0x59: {  	[sflag:s28] =	ssyncset.done $0x0;
	s0 =	sadd.s32 s19, s0;
	s29 =	sadd.s32 $0x1800, s29  }
.Ltmp4:
0x5a: {  	[sflag:s28] =	ssyncadd.s32 $0xFFFFD800;
	s0 =	sor.u32 $0x80, s0;
	(pc) =	sbr.rel @!p0 .LBB2_3-.Ltmp4, $4  }
0x5b: {  	[spmem:s2] =	stream.indirect.scatter.add.f32 [tilespmem:s29], [sflag:$0x7], $0x80, s0, s17, $0xb8;
	[tilespmem:$0x1F080] =	vst v63  }
0x5c: {  	_ =	swait.ge [sflag:s16], $0x2800  }
0x5d: {  	[sflag:s16] =	ssyncset.done $0x0  }
0x5e: {  	[sflag:s16] =	ssyncadd.s32 $0xFFFFD800  }
0x5f: {  	p0 =	sgt.u32 s26, $0xF5  }
.Ltmp5:
0x60: {  	_ = 	snop;
	(pc) =	sbr.rel @p0 .LBB2_6-.Ltmp5, $4  }
.Ltmp6:
0x61: {  	_ = 	snop;
	(pc) =	sbr.rel @!p0 .LBB2_5-.Ltmp6, $4  }
0x62: {  	_ = 	snop  }
0x63: {  	_ = 	snop  }
0x64: {  	_ = 	snop  }
0x65: {  	_ = 	snop  }
.LBB2_8:
0x66: {  	_ =	sfence.sel $0x180000  }
0x67: {  	[bflag:$0x0] =	sbarrier.arrive $0xFFFF  }
0x68: {  	_ =	strace $0x90000047  }
0x69: {  	s0 =	stileid.u32;
	[bflag:$0x2] =	sbarrier.arrive $0xFFFF  }
0x6a: {  	p0 =	sne.s32 s0, $0x0;
	s0 =	rddreg [dreg:$0x2]  }
0x6b: {  	s0 =	sadd.s32 @!p0 $0x100000, s0  }
0x6c: {  	[sflag:s0] =	ssyncadd.tile.s32 @!p0 $0x1;
	_ =	shalt  }
.Lfunc_end2:
_tile_overlayer_lowered:
.L_overlay_start_2:
0x6d: {  	(tag) =	ssettag $0x2  }
0x6e: {  	s0 =	rddreg [dreg:$0x0];
	s2 =	stileid.u32  }
0x6f: {  	s1 =	rddreg [dreg:$0x1];
	p0 =	sne.s32 s2, $0x0  }
0x70: {  	s3 =	rddreg [dreg:$0x2];
	[bflag:$0x3] =	sbarrier.arrive $0xFFFF;
	s2 =	simm.s32 @!p0 $0x1C07  }
0x71: {  	[timem:s3], [sflag:s2] =	dma.local @!p0 [hbm:s0], s1  }
0x72: {  	s0 =	simm.s32 @!p0 $0x7  }
0x73: {  	_ =	swait.ge @!p0 [sflag:s0], s1  }
0x74: {  	s1 =	ssub.s32 @!p0 $0x0, s1;
	[sflag:s0] =	ssyncset.done @!p0 $0x0  }
0x75: {  	[sflag:s0] =	ssyncadd.s32 @!p0 s1  }
0x76: {  	[bflag:$0x3] =	sbarrier.arrive $0xFFFF  }
0x77: {  	_ =	shalt  }

</sc_bundles>
